<compile_context>
chip_gen: v7x
topology: tpu7x:2x2x1
jax: 0.10.2.dev20260603
libtpu: 0.0.44.dev20260713+nightly
codegen_flags: <defaults>
</compile_context>

<pallas_src>
import functools

import jax
import jax.numpy as jnp
from jax import lax
from jax.experimental import pallas as pl
from jax.experimental.pallas import tpu as pltpu
from jax.experimental.pallas import tpu_sc as plsc

_NC = 2
_NS = 16
_NW = _NC * _NS

_K = 128


def _mesh():
    return plsc.VectorSubcoreMesh(core_axis_name="c", subcore_axis_name="s")


def _pack_edges(src, dst, n):
    e = src.shape[0]
    ew = -(-e // _NW)
    ewp = -(-ew // (2 * _K)) * (2 * _K)
    packed = src | (dst << 16)
    if e < _NW * ew:
        packed = jnp.concatenate(
            [packed, jnp.full((_NW * ew - e,), jnp.int32(n << 16))])
    pad1 = n + (jnp.arange(ewp - ew, dtype=jnp.int32) % 128)
    pad = jnp.broadcast_to(pad1 << 16, (_NW, ewp - ew))
    out = jnp.concatenate([packed.reshape(_NW, ew), pad], axis=1)
    return out.reshape(-1), ewp


def _make_hist(n, ewp, zr):
    ncw = ewp // _K

    @functools.partial(
        pl.kernel,
        out_type=jax.ShapeDtypeStruct((_NC * _NS * zr,), jnp.float32),
        mesh=_mesh(),
        scratch_types=[
            pltpu.VMEM((ewp,), jnp.int32),
            pltpu.VMEM((_K,), jnp.int32),
            pltpu.VMEM((_K,), jnp.float32),
            pltpu.VMEM((zr,), jnp.float32),
            pltpu.VMEM_SHARED((_NS * zr,), jnp.float32),
        ],
    )
    def hist(pk_hbm, out_hbm, pflat, didx_c, ones, zbuf, flat_sh):
        c = lax.axis_index("c")
        s = lax.axis_index("s")
        wid = s * _NC + c
        pltpu.sync_copy(pk_hbm.at[pl.ds(wid * ewp, ewp)], pflat)

        def fill1(j, carry):
            ones[pl.ds(j * 16, 16)] = jnp.full((16,), 1.0, jnp.float32)
            return carry

        lax.fori_loop(0, _K // 16, fill1, 0)

        def fill0(j, carry):
            zbuf[pl.ds(j * 16, 16)] = jnp.zeros((16,), jnp.float32)
            return carry

        lax.fori_loop(0, zr // 16, fill0, 0)
        pltpu.sync_copy(zbuf, flat_sh.at[pl.ds(s * zr, zr)])
        plsc.subcore_barrier()

        def body(i, carry):
            for t in range(_K // 16):
                v = pflat[pl.ds(i * _K + t * 16, 16)]
                didx_c[pl.ds(t * 16, 16)] = lax.shift_right_logical(v, 16)
            pltpu.sync_copy(ones, flat_sh.at[didx_c], add=True)
            return carry

        lax.fori_loop(0, ncw, body, 0)
        plsc.subcore_barrier()
        pltpu.sync_copy(flat_sh.at[pl.ds(s * zr, zr)],
                        out_hbm.at[pl.ds((c * _NS + s) * zr, zr)])

    return hist


def _make_seg(n, ewp, ew, d):
    rpt = n // _NS
    zq = 5
    zrow = rpt // zq
    full = (ew // _K) & ~1
    rem = ew - full * _K
    assert rem % 16 == 0 and rem <= _K and full >= 2

    @functools.partial(
        pl.kernel,
        out_type=jax.ShapeDtypeStruct((_NC, _NS, rpt, d), jnp.float32),
        mesh=_mesh(),
        scratch_types=[
            pltpu.VMEM((ewp,), jnp.int32),
            pltpu.VMEM((_K,), jnp.int32),
            pltpu.VMEM((_K,), jnp.int32),
            pltpu.VMEM((_K,), jnp.int32),
            pltpu.VMEM((max(rem, 16),), jnp.int32),
            pltpu.VMEM((max(rem, 16),), jnp.int32),
            pltpu.VMEM((_K, d), jnp.float32),
            pltpu.VMEM((_K, d), jnp.float32),
            pltpu.VMEM_SHARED((n, d), jnp.float32),
            pltpu.SemaphoreType.DMA,
            pltpu.SemaphoreType.DMA,
        ],
    )
    def seg(g_hbm, pk_hbm, out_hbm,
            pflat, sidx_a, sidx_b, didx_c, sidx_t, didx_t, rows_a, rows_b,
            acc_sh, sem_a, sem_b):
        c = lax.axis_index("c")
        s = lax.axis_index("s")
        wid = s * _NC + c
        pltpu.sync_copy(pk_hbm.at[pl.ds(wid * ewp, ewp)], pflat)

        def fillz(j, carry):
            for t in range(d // 16):
                rows_a[j, pl.ds(t * 16, 16)] = jnp.zeros((16,), jnp.float32)
            return carry

        lax.fori_loop(0, zrow, fillz, 0)

        def zcopy(q, carry):
            pltpu.sync_copy(rows_a.at[pl.ds(0, zrow)],
                            acc_sh.at[pl.ds(s * rpt + q * zrow, zrow)])
            return carry

        lax.fori_loop(0, zq, zcopy, 0)
        plsc.subcore_barrier()

        def gat(i, sidx, buf, sem):
            for t in range(_K // 16):
                v = pflat[pl.ds(i * _K + t * 16, 16)]
                sidx[pl.ds(t * 16, 16)] = v & 0xFFFF
            pltpu.async_copy(g_hbm.at[sidx], buf, sem)

        def scat(i, buf):
            for t in range(_K // 16):
                v = pflat[pl.ds(i * _K + t * 16, 16)]
                didx_c[pl.ds(t * 16, 16)] = lax.shift_right_logical(v, 16)
            pltpu.sync_copy(buf, acc_sh.at[didx_c], add=True)

        gat(0, sidx_a, rows_a, sem_a)

        def body(j, carry):
            i0 = 2 * j
            gat(i0 + 1, sidx_b, rows_b, sem_b)
            pltpu.make_async_copy(g_hbm.at[sidx_a], rows_a, sem_a).wait()
            scat(i0, rows_a)

            @pl.when(j < full // 2 - 1)
            def _():
                gat(i0 + 2, sidx_a, rows_a, sem_a)

            pltpu.make_async_copy(g_hbm.at[sidx_b], rows_b, sem_b).wait()
            scat(i0 + 1, rows_b)
            return carry

        lax.fori_loop(0, full // 2, body, 0)

        if rem:
            for t in range(rem // 16):
                v = pflat[pl.ds(full * _K + t * 16, 16)]
                sidx_t[pl.ds(t * 16, 16)] = v & 0xFFFF
                didx_t[pl.ds(t * 16, 16)] = lax.shift_right_logical(v, 16)
            pltpu.async_copy(g_hbm.at[sidx_t],
                             rows_a.at[pl.ds(0, rem)], sem_a).wait()
            pltpu.sync_copy(rows_a.at[pl.ds(0, rem)],
                            acc_sh.at[didx_t], add=True)

        plsc.subcore_barrier()
        pltpu.sync_copy(acc_sh.at[pl.ds(s * rpt, rpt)], out_hbm.at[c, s])

    return seg


def _enc_body(deg_ref, x_ref, w1_ref, g_ref, dinv_ref):
    deg = deg_ref[0, :, 0] + deg_ref[1, :, 0] + 1.0
    dinv = lax.rsqrt(deg)
    g_ref[...] = jnp.dot(x_ref[...] * dinv[:, None], w1_ref[...],
                         preferred_element_type=jnp.float32)
    dinv_ref[...] = dinv[:, None]


def _encode(deg_parts, x, w1, bm):
    n, d = x.shape
    h = w1.shape[1]
    grid = (n // bm,)
    return pl.pallas_call(
        _enc_body,
        grid=grid,
        in_specs=[
            pl.BlockSpec((_NC, bm, 1), lambda i: (0, i, 0)),
            pl.BlockSpec((bm, d), lambda i: (i, 0)),
            pl.BlockSpec((d, h), lambda i: (0, 0)),
        ],
        out_specs=[
            pl.BlockSpec((bm, h), lambda i: (i, 0)),
            pl.BlockSpec((bm, 1), lambda i: (i, 0)),
        ],
        out_shape=[
            jax.ShapeDtypeStruct((n, h), jnp.float32),
            jax.ShapeDtypeStruct((n, 1), jnp.float32),
        ],
    )(deg_parts, x, w1)


def _dec_body(acc_ref, g_ref, dinv_ref, b1_ref, wc_ref, bc_ref, out_ref):
    tot = acc_ref[0] + acc_ref[1] + g_ref[...]
    pre = tot * dinv_ref[...] + b1_ref[...]
    out_ref[...] = jnp.dot(jnp.maximum(pre, 0.0), wc_ref[...],
                           preferred_element_type=jnp.float32) + bc_ref[...]


def _decode(acc_parts, g, dinv, b1, wc, bc, bm):
    n, h = g.shape
    o = wc.shape[1]
    grid = (n // bm,)
    return pl.pallas_call(
        _dec_body,
        grid=grid,
        in_specs=[
            pl.BlockSpec((_NC, bm, h), lambda i: (0, i, 0)),
            pl.BlockSpec((bm, h), lambda i: (i, 0)),
            pl.BlockSpec((bm, 1), lambda i: (i, 0)),
            pl.BlockSpec((1, h), lambda i: (0, 0)),
            pl.BlockSpec((h, o), lambda i: (0, 0)),
            pl.BlockSpec((1, o), lambda i: (0, 0)),
        ],
        out_specs=pl.BlockSpec((bm, o), lambda i: (i, 0)),
        out_shape=jax.ShapeDtypeStruct((n, o), jnp.float32),
    )(acc_parts, g, dinv, b1, wc, bc)


def kernel(x, edge_index, W1, b1, Wc, bc):
    n, d = x.shape
    h = W1.shape[1]
    e = edge_index.shape[1]
    assert n % _NS == 0

    src = edge_index[0].astype(jnp.int32)
    dst = edge_index[1].astype(jnp.int32)

    assert n < 32768 and e % _NW == 0
    pk, ewp = _pack_edges(src, dst, n)

    zr = -(-(n + 128) // (_NS * 16)) * 16

    deg_flat = _make_hist(n, ewp, zr)(pk)
    deg_parts = deg_flat.reshape(_NC, 1, _NS * zr)[:, :, :n]
    deg_parts = deg_parts.reshape(_NC, n, 1)

    g, dinv = _encode(deg_parts, x, W1, 1000)

    ew = -(-e // _NW)
    acc_parts = _make_seg(n, ewp, ew, h)(g, pk).reshape(_NC, n, h)

    out = _decode(acc_parts, g, dinv,
                  b1.reshape(1, h), Wc, bc.reshape(1, -1), 1000)
    return out

# --- scband reference (transcript-rebuilt; emitter-appended) ---
"""Pipeline reference for scband-gcn-33732673143028 (READ-ONLY COPY).

The authoritative reference and input builder live on the scoring server;
editing this copy changes nothing except your own understanding.
"""

import jax, jax.numpy as jnp
import numpy as np

N = 10000
E = 320000
D = 128
H = 128
O = 70


def _glorot(key, shape):
    fan_in, fan_out = shape[0], shape[1]
    limit = np.sqrt(6.0 / (fan_in + fan_out))
    return jax.random.uniform(key, shape, dtype=jnp.float32, minval=-limit, maxval=limit)


def setup_inputs(seed: int = 0) -> dict:
    key = jax.random.key(seed)
    k1, k2, k3, k4 = jax.random.split(key, 4)
    x = jax.random.normal(k1, (N, D), dtype=jnp.float32)
    edge_index = jax.random.randint(k2, (2, E), 0, N)
    W1 = _glorot(k3, (D, H))
    b1 = jnp.zeros((H,), dtype=jnp.float32)
    Wc = _glorot(k4, (H, O))
    bc = jnp.zeros((O,), dtype=jnp.float32)
    return {"x": x, "edge_index": edge_index, "W1": W1, "b1": b1, "Wc": Wc, "bc": bc}


def reference(x, edge_index, W1, b1, Wc, bc):
    # GCN encoder: layer_num=2 -> (layer_num-1)=1 GCNConv(input_dim -> hidden) + relu
    # (dropout is identity at inference), then linear classifier hidden -> output_dim.
    src = edge_index[0]
    dst = edge_index[1]
    # add self loops (standard GCNConv normalization)
    loop = jnp.arange(N, dtype=src.dtype)
    src = jnp.concatenate([src, loop])
    dst = jnp.concatenate([dst, loop])
    ones = jnp.ones(src.shape[0], dtype=jnp.float32)
    deg = jax.ops.segment_sum(ones, dst, num_segments=N)
    dinv = jnp.where(deg > 0, jax.lax.rsqrt(deg), 0.0)
    norm = dinv[src] * dinv[dst]
    # GCNConv: h = D^{-1/2}(A+I)D^{-1/2} x W + b
    h = x @ W1
    msg = h[src] * norm[:, None]
    agg = jax.ops.segment_sum(msg, dst, num_segments=N) + b1
    h = jax.nn.relu(agg)
    out = h @ Wc + bc
    return out

if __name__ == "__main__":
    import jax
    _d = setup_inputs()
    print(jax.jit(kernel)(*tuple(_d.values())))

</pallas_src>

<mosaic_0001>
#map = affine_map<(d0, d1) -> (0)>
module attributes {stable_mosaic.version = 14 : i64} {
  func.func @hist(%arg0: i32, %arg1: i32, %arg2: memref<327680xi32, #tpu.memory_space<hbm>>, %arg3: memref<20480xf32, #tpu.memory_space<hbm>>, %arg4: memref<10240xi32, #tpu.memory_space<vmem>>, %arg5: memref<128xi32, #tpu.memory_space<vmem>>, %arg6: memref<128xf32, #tpu.memory_space<vmem>>, %arg7: memref<640xf32, #tpu.memory_space<vmem>>, %arg8: memref<10240xf32, #tpu.memory_space<vmem_shared>>) attributes {dimension_semantics = [#tpu.dimension_semantics<core_parallel>, #tpu.dimension_semantics<subcore_parallel>], iteration_bounds = array<i64: 2, 16>, scalar_prefetch = 0 : i64, scratch_operands = 5 : i64, tpu.core_type = #tpu.core_type<sc_vector_subcore>, window_params = [{transform_indices = #map}, {transform_indices = #map}]} {
    %mul3A = arith.constant 2 : i32
    %mul3A_0 = arith.muli %arg1, %mul3A : i32
    %add3A = arith.addi %mul3A_0, %arg0 : i32
    %mul3A_1 = arith.constant 10240 : i32
    %mul3A_2 = arith.muli %add3A, %mul3A_1 : i32
    "tpu.region"() ({
      %run_scoped3A = tpu.sem_alloc : memref<!tpu.dma_semaphore, #tpu.memory_space<semaphore_mem>>
      %dma_start3A = tpu.memref_slice %arg2[%mul3A_2] : memref<327680xi32, #tpu.memory_space<hbm>> -> memref<10240xi32, #tpu.memory_space<hbm>>
      %dma_start3A_30 = tpu.memref_slice %arg2[%mul3A_2] : memref<327680xi32, #tpu.memory_space<hbm>> -> memref<10240xi32, #tpu.memory_space<hbm>>
      tpu.enqueue_dma source(%dma_start3A_30 : memref<10240xi32, #tpu.memory_space<hbm>>) target(%arg4 : memref<10240xi32, #tpu.memory_space<vmem>>) target_semaphore(%run_scoped3A : memref<!tpu.dma_semaphore, #tpu.memory_space<semaphore_mem>>)
      %dma_wait3A = tpu.memref_slice %arg2[%mul3A_2] : memref<327680xi32, #tpu.memory_space<hbm>> -> memref<10240xi32, #tpu.memory_space<hbm>>
      %dma_wait3A_31 = tpu.memref_slice %arg2[%mul3A_2] : memref<327680xi32, #tpu.memory_space<hbm>> -> memref<10240xi32, #tpu.memory_space<hbm>>
      tpu.wait_dma2 semaphore(%run_scoped3A : memref<!tpu.dma_semaphore, #tpu.memory_space<semaphore_mem>>) src(%dma_wait3A_31 : memref<10240xi32, #tpu.memory_space<hbm>>) dst(%arg4 : memref<10240xi32, #tpu.memory_space<vmem>>)
      tpu.yield
    }) : () -> ()
    %scan3A = arith.constant 0 : i32
    %scan3A_3 = arith.constant 0 : i32
    %scan3A_4 = arith.constant 8 : i32
    %scan3A_5 = arith.addi %scan3A_3, %scan3A_4 : i32
    %scan3A_6 = arith.constant 1 : i32
    scf.for %scan3A_30 = %scan3A_3 to %scan3A_5 step %scan3A_6  : i32 {
      %broadcast_in_dim3A = arith.constant 1.000000e+00 : f32
      %broadcast_in_dim3A_31 = vector.broadcast %broadcast_in_dim3A : f32 to vector<16xf32>
      %mul3A_32 = arith.constant 16 : i32
      %mul3A_33 = arith.muli %scan3A_30, %mul3A_32 : i32
      %swap3A = arith.index_cast %mul3A_33 : i32 to index
      %swap3A_34 = tpu.vector_load %arg6[%swap3A] {strides = array<i32>} : memref<128xf32, #tpu.memory_space<vmem>>, vector<16xf32>,
      %swap3A_35 = vector.shape_cast %swap3A_34 : vector<16xf32> to vector<16xf32>
      %swap3A_36 = vector.shape_cast %broadcast_in_dim3A_31 : vector<16xf32> to vector<16xf32>
      tpu.vector_store %arg6[%swap3A], %swap3A_36 {strides = array<i32>} : memref<128xf32, #tpu.memory_space<vmem>>, vector<16xf32>,
    }
    %scan3A_7 = arith.constant 8 : i32
    %scan3A_8 = arith.constant 0 : i32
    %scan3A_9 = arith.constant 0 : i32
    %scan3A_10 = arith.constant 40 : i32
    %scan3A_11 = arith.addi %scan3A_9, %scan3A_10 : i32
    %scan3A_12 = arith.constant 1 : i32
    scf.for %scan3A_30 = %scan3A_9 to %scan3A_11 step %scan3A_12  : i32 {
      %broadcast_in_dim3A = arith.constant 0.000000e+00 : f32
      %broadcast_in_dim3A_31 = vector.broadcast %broadcast_in_dim3A : f32 to vector<16xf32>
      %mul3A_32 = arith.constant 16 : i32
      %mul3A_33 = arith.muli %scan3A_30, %mul3A_32 : i32
      %swap3A = arith.index_cast %mul3A_33 : i32 to index
      %swap3A_34 = tpu.vector_load %arg7[%swap3A] {strides = array<i32>} : memref<640xf32, #tpu.memory_space<vmem>>, vector<16xf32>,
      %swap3A_35 = vector.shape_cast %swap3A_34 : vector<16xf32> to vector<16xf32>
      %swap3A_36 = vector.shape_cast %broadcast_in_dim3A_31 : vector<16xf32> to vector<16xf32>
      tpu.vector_store %arg7[%swap3A], %swap3A_36 {strides = array<i32>} : memref<640xf32, #tpu.memory_space<vmem>>, vector<16xf32>,
    }
    %scan3A_13 = arith.constant 40 : i32
    %mul3A_14 = arith.constant 640 : i32
    %mul3A_15 = arith.muli %arg1, %mul3A_14 : i32
    "tpu.region"() ({
      %run_scoped3A = tpu.sem_alloc : memref<!tpu.dma_semaphore, #tpu.memory_space<semaphore_mem>>
      %dma_start3A = tpu.memref_slice %arg8[%mul3A_15] : memref<10240xf32, #tpu.memory_space<vmem_shared>> -> memref<640xf32, #tpu.memory_space<vmem_shared>>
      %dma_start3A_30 = tpu.memref_slice %arg8[%mul3A_15] : memref<10240xf32, #tpu.memory_space<vmem_shared>> -> memref<640xf32, #tpu.memory_space<vmem_shared>>
      tpu.enqueue_dma source(%arg7 : memref<640xf32, #tpu.memory_space<vmem>>) target(%dma_start3A_30 : memref<640xf32, #tpu.memory_space<vmem_shared>>) target_semaphore(%run_scoped3A : memref<!tpu.dma_semaphore, #tpu.memory_space<semaphore_mem>>)
      %dma_wait3A = tpu.memref_slice %arg8[%mul3A_15] : memref<10240xf32, #tpu.memory_space<vmem_shared>> -> memref<640xf32, #tpu.memory_space<vmem_shared>>
      %dma_wait3A_31 = tpu.memref_slice %arg8[%mul3A_15] : memref<10240xf32, #tpu.memory_space<vmem_shared>> -> memref<640xf32, #tpu.memory_space<vmem_shared>>
      tpu.wait_dma2 semaphore(%run_scoped3A : memref<!tpu.dma_semaphore, #tpu.memory_space<semaphore_mem>>) src(%arg7 : memref<640xf32, #tpu.memory_space<vmem>>) dst(%dma_wait3A_31 : memref<640xf32, #tpu.memory_space<vmem_shared>>)
      tpu.yield
    }) : () -> ()
    %barrier3A = arith.constant 0 : index
    tpu.barrier barrier_id(%barrier3A)
    %scan3A_16 = arith.constant 0 : i32
    %scan3A_17 = arith.constant 0 : i32
    %scan3A_18 = arith.constant 80 : i32
    %scan3A_19 = arith.addi %scan3A_17, %scan3A_18 : i32
    %scan3A_20 = arith.constant 1 : i32
    scf.for %scan3A_30 = %scan3A_17 to %scan3A_19 step %scan3A_20  : i32 {
      %mul3A_31 = arith.constant 128 : i32
      %mul3A_32 = arith.muli %scan3A_30, %mul3A_31 : i32
      %add3A_33 = arith.constant 0 : i32
      %add3A_34 = arith.addi %mul3A_32, %add3A_33 : i32
      %get3A = arith.index_cast %add3A_34 : i32 to index
      %get3A_35 = tpu.vector_load %arg4[%get3A] {strides = array<i32>} : memref<10240xi32, #tpu.memory_space<vmem>>, vector<16xi32>,
      %get3A_36 = vector.shape_cast %get3A_35 : vector<16xi32> to vector<16xi32>
      %shift_right_logical3A = arith.constant 16 : i32
      %shift_right_logical3A_37 = vector.broadcast %shift_right_logical3A : i32 to vector<16xi32>
      %shift_right_logical3A_38 = arith.shrui %get3A_36, %shift_right_logical3A_37 : vector<16xi32>
      %swap3A = arith.constant 0 : index
      %swap3A_39 = tpu.vector_load %arg5[%swap3A] {strides = array<i32>} : memref<128xi32, #tpu.memory_space<vmem>>, vector<16xi32>,
      %swap3A_40 = vector.shape_cast %swap3A_39 : vector<16xi32> to vector<16xi32>
      %swap3A_41 = vector.shape_cast %shift_right_logical3A_38 : vector<16xi32> to vector<16xi32>
      tpu.vector_store %arg5[%swap3A], %swap3A_41 {strides = array<i32>} : memref<128xi32, #tpu.memory_space<vmem>>, vector<16xi32>,
      %mul3A_42 = arith.constant 128 : i32
      %mul3A_43 = arith.muli %scan3A_30, %mul3A_42 : i32
      %add3A_44 = arith.constant 16 : i32
      %add3A_45 = arith.addi %mul3A_43, %add3A_44 : i32
      %get3A_46 = arith.index_cast %add3A_45 : i32 to index
      %get3A_47 = tpu.vector_load %arg4[%get3A_46] {strides = array<i32>} : memref<10240xi32, #tpu.memory_space<vmem>>, vector<16xi32>,
      %get3A_48 = vector.shape_cast %get3A_47 : vector<16xi32> to vector<16xi32>
      %shift_right_logical3A_49 = arith.constant 16 : i32
      %shift_right_logical3A_50 = vector.broadcast %shift_right_logical3A_49 : i32 to vector<16xi32>
      %shift_right_logical3A_51 = arith.shrui %get3A_48, %shift_right_logical3A_50 : vector<16xi32>
      %swap3A_52 = arith.constant 16 : index
      %swap3A_53 = tpu.vector_load %arg5[%swap3A_52] {strides = array<i32>} : memref<128xi32, #tpu.memory_space<vmem>>, vector<16xi32>,
      %swap3A_54 = vector.shape_cast %swap3A_53 : vector<16xi32> to vector<16xi32>
      %swap3A_55 = vector.shape_cast %shift_right_logical3A_51 : vector<16xi32> to vector<16xi32>
      tpu.vector_store %arg5[%swap3A_52], %swap3A_55 {strides = array<i32>} : memref<128xi32, #tpu.memory_space<vmem>>, vector<16xi32>,
      %mul3A_56 = arith.constant 128 : i32
      %mul3A_57 = arith.muli %scan3A_30, %mul3A_56 : i32
      %add3A_58 = arith.constant 32 : i32
      %add3A_59 = arith.addi %mul3A_57, %add3A_58 : i32
      %get3A_60 = arith.index_cast %add3A_59 : i32 to index
      %get3A_61 = tpu.vector_load %arg4[%get3A_60] {strides = array<i32>} : memref<10240xi32, #tpu.memory_space<vmem>>, vector<16xi32>,
      %get3A_62 = vector.shape_cast %get3A_61 : vector<16xi32> to vector<16xi32>
      %shift_right_logical3A_63 = arith.constant 16 : i32
      %shift_right_logical3A_64 = vector.broadcast %shift_right_logical3A_63 : i32 to vector<16xi32>
      %shift_right_logical3A_65 = arith.shrui %get3A_62, %shift_right_logical3A_64 : vector<16xi32>
      %swap3A_66 = arith.constant 32 : index
      %swap3A_67 = tpu.vector_load %arg5[%swap3A_66] {strides = array<i32>} : memref<128xi32, #tpu.memory_space<vmem>>, vector<16xi32>,
      %swap3A_68 = vector.shape_cast %swap3A_67 : vector<16xi32> to vector<16xi32>
      %swap3A_69 = vector.shape_cast %shift_right_logical3A_65 : vector<16xi32> to vector<16xi32>
      tpu.vector_store %arg5[%swap3A_66], %swap3A_69 {strides = array<i32>} : memref<128xi32, #tpu.memory_space<vmem>>, vector<16xi32>,
      %mul3A_70 = arith.constant 128 : i32
      %mul3A_71 = arith.muli %scan3A_30, %mul3A_70 : i32
      %add3A_72 = arith.constant 48 : i32
      %add3A_73 = arith.addi %mul3A_71, %add3A_72 : i32
      %get3A_74 = arith.index_cast %add3A_73 : i32 to index
      %get3A_75 = tpu.vector_load %arg4[%get3A_74] {strides = array<i32>} : memref<10240xi32, #tpu.memory_space<vmem>>, vector<16xi32>,
      %get3A_76 = vector.shape_cast %get3A_75 : vector<16xi32> to vector<16xi32>
      %shift_right_logical3A_77 = arith.constant 16 : i32
      %shift_right_logical3A_78 = vector.broadcast %shift_right_logical3A_77 : i32 to vector<16xi32>
      %shift_right_logical3A_79 = arith.shrui %get3A_76, %shift_right_logical3A_78 : vector<16xi32>
      %swap3A_80 = arith.constant 48 : index
      %swap3A_81 = tpu.vector_load %arg5[%swap3A_80] {strides = array<i32>} : memref<128xi32, #tpu.memory_space<vmem>>, vector<16xi32>,
      %swap3A_82 = vector.shape_cast %swap3A_81 : vector<16xi32> to vector<16xi32>
      %swap3A_83 = vector.shape_cast %shift_right_logical3A_79 : vector<16xi32> to vector<16xi32>
      tpu.vector_store %arg5[%swap3A_80], %swap3A_83 {strides = array<i32>} : memref<128xi32, #tpu.memory_space<vmem>>, vector<16xi32>,
      %mul3A_84 = arith.constant 128 : i32
      %mul3A_85 = arith.muli %scan3A_30, %mul3A_84 : i32
      %add3A_86 = arith.constant 64 : i32
      %add3A_87 = arith.addi %mul3A_85, %add3A_86 : i32
      %get3A_88 = arith.index_cast %add3A_87 : i32 to index
      %get3A_89 = tpu.vector_load %arg4[%get3A_88] {strides = array<i32>} : memref<10240xi32, #tpu.memory_space<vmem>>, vector<16xi32>,
      %get3A_90 = vector.shape_cast %get3A_89 : vector<16xi32> to vector<16xi32>
      %shift_right_logical3A_91 = arith.constant 16 : i32
      %shift_right_logical3A_92 = vector.broadcast %shift_right_logical3A_91 : i32 to vector<16xi32>
      %shift_right_logical3A_93 = arith.shrui %get3A_90, %shift_right_logical3A_92 : vector<16xi32>
      %swap3A_94 = arith.constant 64 : index
      %swap3A_95 = tpu.vector_load %arg5[%swap3A_94] {strides = array<i32>} : memref<128xi32, #tpu.memory_space<vmem>>, vector<16xi32>,
      %swap3A_96 = vector.shape_cast %swap3A_95 : vector<16xi32> to vector<16xi32>
      %swap3A_97 = vector.shape_cast %shift_right_logical3A_93 : vector<16xi32> to vector<16xi32>
      tpu.vector_store %arg5[%swap3A_94], %swap3A_97 {strides = array<i32>} : memref<128xi32, #tpu.memory_space<vmem>>, vector<16xi32>,
      %mul3A_98 = arith.constant 128 : i32
      %mul3A_99 = arith.muli %scan3A_30, %mul3A_98 : i32
      %add3A_100 = arith.constant 80 : i32
      %add3A_101 = arith.addi %mul3A_99, %add3A_100 : i32
      %get3A_102 = arith.index_cast %add3A_101 : i32 to index
      %get3A_103 = tpu.vector_load %arg4[%get3A_102] {strides = array<i32>} : memref<10240xi32, #tpu.memory_space<vmem>>, vector<16xi32>,
      %get3A_104 = vector.shape_cast %get3A_103 : vector<16xi32> to vector<16xi32>
      %shift_right_logical3A_105 = arith.constant 16 : i32
      %shift_right_logical3A_106 = vector.broadcast %shift_right_logical3A_105 : i32 to vector<16xi32>
      %shift_right_logical3A_107 = arith.shrui %get3A_104, %shift_right_logical3A_106 : vector<16xi32>
      %swap3A_108 = arith.constant 80 : index
      %swap3A_109 = tpu.vector_load %arg5[%swap3A_108] {strides = array<i32>} : memref<128xi32, #tpu.memory_space<vmem>>, vector<16xi32>,
      %swap3A_110 = vector.shape_cast %swap3A_109 : vector<16xi32> to vector<16xi32>
      %swap3A_111 = vector.shape_cast %shift_right_logical3A_107 : vector<16xi32> to vector<16xi32>
      tpu.vector_store %arg5[%swap3A_108], %swap3A_111 {strides = array<i32>} : memref<128xi32, #tpu.memory_space<vmem>>, vector<16xi32>,
      %mul3A_112 = arith.constant 128 : i32
      %mul3A_113 = arith.muli %scan3A_30, %mul3A_112 : i32
      %add3A_114 = arith.constant 96 : i32
      %add3A_115 = arith.addi %mul3A_113, %add3A_114 : i32
      %get3A_116 = arith.index_cast %add3A_115 : i32 to index
      %get3A_117 = tpu.vector_load %arg4[%get3A_116] {strides = array<i32>} : memref<10240xi32, #tpu.memory_space<vmem>>, vector<16xi32>,
      %get3A_118 = vector.shape_cast %get3A_117 : vector<16xi32> to vector<16xi32>
      %shift_right_logical3A_119 = arith.constant 16 : i32
      %shift_right_logical3A_120 = vector.broadcast %shift_right_logical3A_119 : i32 to vector<16xi32>
      %shift_right_logical3A_121 = arith.shrui %get3A_118, %shift_right_logical3A_120 : vector<16xi32>
      %swap3A_122 = arith.constant 96 : index
      %swap3A_123 = tpu.vector_load %arg5[%swap3A_122] {strides = array<i32>} : memref<128xi32, #tpu.memory_space<vmem>>, vector<16xi32>,
      %swap3A_124 = vector.shape_cast %swap3A_123 : vector<16xi32> to vector<16xi32>
      %swap3A_125 = vector.shape_cast %shift_right_logical3A_121 : vector<16xi32> to vector<16xi32>
      tpu.vector_store %arg5[%swap3A_122], %swap3A_125 {strides = array<i32>} : memref<128xi32, #tpu.memory_space<vmem>>, vector<16xi32>,
      %mul3A_126 = arith.constant 128 : i32
      %mul3A_127 = arith.muli %scan3A_30, %mul3A_126 : i32
      %add3A_128 = arith.constant 112 : i32
      %add3A_129 = arith.addi %mul3A_127, %add3A_128 : i32
      %get3A_130 = arith.index_cast %add3A_129 : i32 to index
      %get3A_131 = tpu.vector_load %arg4[%get3A_130] {strides = array<i32>} : memref<10240xi32, #tpu.memory_space<vmem>>, vector<16xi32>,
      %get3A_132 = vector.shape_cast %get3A_131 : vector<16xi32> to vector<16xi32>
      %shift_right_logical3A_133 = arith.constant 16 : i32
      %shift_right_logical3A_134 = vector.broadcast %shift_right_logical3A_133 : i32 to vector<16xi32>
      %shift_right_logical3A_135 = arith.shrui %get3A_132, %shift_right_logical3A_134 : vector<16xi32>
      %swap3A_136 = arith.constant 112 : index
      %swap3A_137 = tpu.vector_load %arg5[%swap3A_136] {strides = array<i32>} : memref<128xi32, #tpu.memory_space<vmem>>, vector<16xi32>,
      %swap3A_138 = vector.shape_cast %swap3A_137 : vector<16xi32> to vector<16xi32>
      %swap3A_139 = vector.shape_cast %shift_right_logical3A_135 : vector<16xi32> to vector<16xi32>
      tpu.vector_store %arg5[%swap3A_136], %swap3A_139 {strides = array<i32>} : memref<128xi32, #tpu.memory_space<vmem>>, vector<16xi32>,
      "tpu.region"() ({
        %run_scoped3A = tpu.sem_alloc : memref<!tpu.dma_semaphore, #tpu.memory_space<semaphore_mem>>
        %dma_start3A = arith.constant 0 : i32
        %dma_start3A_140 = tpu.memref_slice %arg8[%dma_start3A] : memref<10240xf32, #tpu.memory_space<vmem_shared>> -> memref<10240xf32, #tpu.memory_space<vmem_shared>>
        tpu.enqueue_indirect_dma source(%arg6 : memref<128xf32, #tpu.memory_space<vmem>>) target(%dma_start3A_140 : memref<10240xf32, #tpu.memory_space<vmem_shared>>) offsets(%arg5 : memref<128xi32, #tpu.memory_space<vmem>>) semaphore(%run_scoped3A : memref<!tpu.dma_semaphore, #tpu.memory_space<semaphore_mem>>) {add = true}
        %dma_wait3A = arith.constant 0 : i32
        %dma_wait3A_141 = tpu.memref_slice %arg8[%dma_wait3A] : memref<10240xf32, #tpu.memory_space<vmem_shared>> -> memref<10240xf32, #tpu.memory_space<vmem_shared>>
        tpu.wait_indirect_dma semaphore(%run_scoped3A : memref<!tpu.dma_semaphore, #tpu.memory_space<semaphore_mem>>) src(%arg6 : memref<128xf32, #tpu.memory_space<vmem>>) dst(%dma_wait3A_141 : memref<10240xf32, #tpu.memory_space<vmem_shared>>)
        tpu.yield
      }) : () -> ()
    }
    %scan3A_21 = arith.constant 80 : i32
    %barrier3A_22 = arith.constant 0 : index
    tpu.barrier barrier_id(%barrier3A_22)
    %mul3A_23 = arith.constant 640 : i32
    %mul3A_24 = arith.muli %arg1, %mul3A_23 : i32
    %mul3A_25 = arith.constant 16 : i32
    %mul3A_26 = arith.muli %arg0, %mul3A_25 : i32
    %add3A_27 = arith.addi %mul3A_26, %arg1 : i32
    %mul3A_28 = arith.constant 640 : i32
    %mul3A_29 = arith.muli %add3A_27, %mul3A_28 : i32
    "tpu.region"() ({
      %run_scoped3A = tpu.sem_alloc : memref<!tpu.dma_semaphore, #tpu.memory_space<semaphore_mem>>
      %dma_start3A = tpu.memref_slice %arg3[%mul3A_29] : memref<20480xf32, #tpu.memory_space<hbm>> -> memref<640xf32, #tpu.memory_space<hbm>>
      %dma_start3A_30 = tpu.memref_slice %arg8[%mul3A_24] : memref<10240xf32, #tpu.memory_space<vmem_shared>> -> memref<640xf32, #tpu.memory_space<vmem_shared>>
      tpu.enqueue_dma source(%dma_start3A_30 : memref<640xf32, #tpu.memory_space<vmem_shared>>) target(%dma_start3A : memref<640xf32, #tpu.memory_space<hbm>>) target_semaphore(%run_scoped3A : memref<!tpu.dma_semaphore, #tpu.memory_space<semaphore_mem>>)
      %dma_wait3A = tpu.memref_slice %arg3[%mul3A_29] : memref<20480xf32, #tpu.memory_space<hbm>> -> memref<640xf32, #tpu.memory_space<hbm>>
      %dma_wait3A_31 = tpu.memref_slice %arg8[%mul3A_24] : memref<10240xf32, #tpu.memory_space<vmem_shared>> -> memref<640xf32, #tpu.memory_space<vmem_shared>>
      tpu.wait_dma2 semaphore(%run_scoped3A : memref<!tpu.dma_semaphore, #tpu.memory_space<semaphore_mem>>) src(%dma_wait3A_31 : memref<640xf32, #tpu.memory_space<vmem_shared>>) dst(%dma_wait3A : memref<640xf32, #tpu.memory_space<hbm>>)
      tpu.yield
    }) : () -> ()
    return
  }
}

#map = affine_map<(d0, d1) -> (0, 0)>
#map1 = affine_map<(d0, d1) -> (0)>
#map2 = affine_map<(d0, d1) -> (0, 0, 0, 0)>
module attributes {stable_mosaic.version = 14 : i64} {
  func.func @seg(%arg0: i32, %arg1: i32, %arg2: memref<10000x128xf32, #tpu.memory_space<hbm>>, %arg3: memref<327680xi32, #tpu.memory_space<hbm>>, %arg4: memref<2x16x625x128xf32, #tpu.memory_space<hbm>>, %arg5: memref<10240xi32, #tpu.memory_space<vmem>>, %arg6: memref<128xi32, #tpu.memory_space<vmem>>, %arg7: memref<128xi32, #tpu.memory_space<vmem>>, %arg8: memref<128xi32, #tpu.memory_space<vmem>>, %arg9: memref<16xi32, #tpu.memory_space<vmem>>, %arg10: memref<16xi32, #tpu.memory_space<vmem>>, %arg11: memref<128x128xf32, #tpu.memory_space<vmem>>, %arg12: memref<128x128xf32, #tpu.memory_space<vmem>>, %arg13: memref<10000x128xf32, #tpu.memory_space<vmem_shared>>, %arg14: memref<!tpu.dma_semaphore, #tpu.memory_space<semaphore_mem>>, %arg15: memref<!tpu.dma_semaphore, #tpu.memory_space<semaphore_mem>>) attributes {dimension_semantics = [#tpu.dimension_semantics<core_parallel>, #tpu.dimension_semantics<subcore_parallel>], iteration_bounds = array<i64: 2, 16>, scalar_prefetch = 0 : i64, scratch_operands = 11 : i64, tpu.core_type = #tpu.core_type<sc_vector_subcore>, window_params = [{transform_indices = #map}, {transform_indices = #map1}, {transform_indices = #map2}]} {
    %mul3A = arith.constant 2 : i32
    %mul3A_0 = arith.muli %arg1, %mul3A : i32
    %add3A = arith.addi %mul3A_0, %arg0 : i32
    %mul3A_1 = arith.constant 10240 : i32
    %mul3A_2 = arith.muli %add3A, %mul3A_1 : i32
    "tpu.region"() ({
      %run_scoped3A = tpu.sem_alloc : memref<!tpu.dma_semaphore, #tpu.memory_space<semaphore_mem>>
      %dma_start3A_129 = tpu.memref_slice %arg3[%mul3A_2] : memref<327680xi32, #tpu.memory_space<hbm>> -> memref<10240xi32, #tpu.memory_space<hbm>>
      %dma_start3A_130 = tpu.memref_slice %arg3[%mul3A_2] : memref<327680xi32, #tpu.memory_space<hbm>> -> memref<10240xi32, #tpu.memory_space<hbm>>
      tpu.enqueue_dma source(%dma_start3A_130 : memref<10240xi32, #tpu.memory_space<hbm>>) target(%arg5 : memref<10240xi32, #tpu.memory_space<vmem>>) target_semaphore(%run_scoped3A : memref<!tpu.dma_semaphore, #tpu.memory_space<semaphore_mem>>)
      %dma_wait3A_131 = tpu.memref_slice %arg3[%mul3A_2] : memref<327680xi32, #tpu.memory_space<hbm>> -> memref<10240xi32, #tpu.memory_space<hbm>>
      %dma_wait3A_132 = tpu.memref_slice %arg3[%mul3A_2] : memref<327680xi32, #tpu.memory_space<hbm>> -> memref<10240xi32, #tpu.memory_space<hbm>>
      tpu.wait_dma2 semaphore(%run_scoped3A : memref<!tpu.dma_semaphore, #tpu.memory_space<semaphore_mem>>) src(%dma_wait3A_132 : memref<10240xi32, #tpu.memory_space<hbm>>) dst(%arg5 : memref<10240xi32, #tpu.memory_space<vmem>>)
      tpu.yield
    }) : () -> ()
    %scan3A = arith.constant 0 : i32
    %scan3A_3 = arith.constant 0 : i32
    %scan3A_4 = arith.constant 125 : i32
    %scan3A_5 = arith.addi %scan3A_3, %scan3A_4 : i32
    %scan3A_6 = arith.constant 1 : i32
    scf.for %scan3A_129 = %scan3A_3 to %scan3A_5 step %scan3A_6  : i32 {
      %broadcast_in_dim3A = arith.constant 0.000000e+00 : f32
      %broadcast_in_dim3A_130 = vector.broadcast %broadcast_in_dim3A : f32 to vector<16xf32>
      %swap3A_131 = arith.index_cast %scan3A_129 : i32 to index
      %swap3A_132 = arith.constant 0 : index
      %swap3A_133 = tpu.vector_load %arg11[%swap3A_131, %swap3A_132] {strides = array<i32>} : memref<128x128xf32, #tpu.memory_space<vmem>>, vector<1x16xf32>,
      %swap3A_134 = vector.shape_cast %swap3A_133 : vector<1x16xf32> to vector<16xf32>
      %swap3A_135 = vector.shape_cast %broadcast_in_dim3A_130 : vector<16xf32> to vector<1x16xf32>
      tpu.vector_store %arg11[%swap3A_131, %swap3A_132], %swap3A_135 {strides = array<i32>} : memref<128x128xf32, #tpu.memory_space<vmem>>, vector<1x16xf32>,
      %broadcast_in_dim3A_136 = arith.constant 0.000000e+00 : f32
      %broadcast_in_dim3A_137 = vector.broadcast %broadcast_in_dim3A_136 : f32 to vector<16xf32>
      %swap3A_138 = arith.index_cast %scan3A_129 : i32 to index
      %swap3A_139 = arith.constant 16 : index
      %swap3A_140 = tpu.vector_load %arg11[%swap3A_138, %swap3A_139] {strides = array<i32>} : memref<128x128xf32, #tpu.memory_space<vmem>>, vector<1x16xf32>,
      %swap3A_141 = vector.shape_cast %swap3A_140 : vector<1x16xf32> to vector<16xf32>
      %swap3A_142 = vector.shape_cast %broadcast_in_dim3A_137 : vector<16xf32> to vector<1x16xf32>
      tpu.vector_store %arg11[%swap3A_138, %swap3A_139], %swap3A_142 {strides = array<i32>} : memref<128x128xf32, #tpu.memory_space<vmem>>, vector<1x16xf32>,
      %broadcast_in_dim3A_143 = arith.constant 0.000000e+00 : f32
      %broadcast_in_dim3A_144 = vector.broadcast %broadcast_in_dim3A_143 : f32 to vector<16xf32>
      %swap3A_145 = arith.index_cast %scan3A_129 : i32 to index
      %swap3A_146 = arith.constant 32 : index
      %swap3A_147 = tpu.vector_load %arg11[%swap3A_145, %swap3A_146] {strides = array<i32>} : memref<128x128xf32, #tpu.memory_space<vmem>>, vector<1x16xf32>,
      %swap3A_148 = vector.shape_cast %swap3A_147 : vector<1x16xf32> to vector<16xf32>
      %swap3A_149 = vector.shape_cast %broadcast_in_dim3A_144 : vector<16xf32> to vector<1x16xf32>
      tpu.vector_store %arg11[%swap3A_145, %swap3A_146], %swap3A_149 {strides = array<i32>} : memref<128x128xf32, #tpu.memory_space<vmem>>, vector<1x16xf32>,
      %broadcast_in_dim3A_150 = arith.constant 0.000000e+00 : f32
      %broadcast_in_dim3A_151 = vector.broadcast %broadcast_in_dim3A_150 : f32 to vector<16xf32>
      %swap3A_152 = arith.index_cast %scan3A_129 : i32 to index
      %swap3A_153 = arith.constant 48 : index
      %swap3A_154 = tpu.vector_load %arg11[%swap3A_152, %swap3A_153] {strides = array<i32>} : memref<128x128xf32, #tpu.memory_space<vmem>>, vector<1x16xf32>,
      %swap3A_155 = vector.shape_cast %swap3A_154 : vector<1x16xf32> to vector<16xf32>
      %swap3A_156 = vector.shape_cast %broadcast_in_dim3A_151 : vector<16xf32> to vector<1x16xf32>
      tpu.vector_store %arg11[%swap3A_152, %swap3A_153], %swap3A_156 {strides = array<i32>} : memref<128x128xf32, #tpu.memory_space<vmem>>, vector<1x16xf32>,
      %broadcast_in_dim3A_157 = arith.constant 0.000000e+00 : f32
      %broadcast_in_dim3A_158 = vector.broadcast %broadcast_in_dim3A_157 : f32 to vector<16xf32>
      %swap3A_159 = arith.index_cast %scan3A_129 : i32 to index
      %swap3A_160 = arith.constant 64 : index
      %swap3A_161 = tpu.vector_load %arg11[%swap3A_159, %swap3A_160] {strides = array<i32>} : memref<128x128xf32, #tpu.memory_space<vmem>>, vector<1x16xf32>,
      %swap3A_162 = vector.shape_cast %swap3A_161 : vector<1x16xf32> to vector<16xf32>
      %swap3A_163 = vector.shape_cast %broadcast_in_dim3A_158 : vector<16xf32> to vector<1x16xf32>
      tpu.vector_store %arg11[%swap3A_159, %swap3A_160], %swap3A_163 {strides = array<i32>} : memref<128x128xf32, #tpu.memory_space<vmem>>, vector<1x16xf32>,
      %broadcast_in_dim3A_164 = arith.constant 0.000000e+00 : f32
      %broadcast_in_dim3A_165 = vector.broadcast %broadcast_in_dim3A_164 : f32 to vector<16xf32>
      %swap3A_166 = arith.index_cast %scan3A_129 : i32 to index
      %swap3A_167 = arith.constant 80 : index
      %swap3A_168 = tpu.vector_load %arg11[%swap3A_166, %swap3A_167] {strides = array<i32>} : memref<128x128xf32, #tpu.memory_space<vmem>>, vector<1x16xf32>,
      %swap3A_169 = vector.shape_cast %swap3A_168 : vector<1x16xf32> to vector<16xf32>
      %swap3A_170 = vector.shape_cast %broadcast_in_dim3A_165 : vector<16xf32> to vector<1x16xf32>
      tpu.vector_store %arg11[%swap3A_166, %swap3A_167], %swap3A_170 {strides = array<i32>} : memref<128x128xf32, #tpu.memory_space<vmem>>, vector<1x16xf32>,
      %broadcast_in_dim3A_171 = arith.constant 0.000000e+00 : f32
      %broadcast_in_dim3A_172 = vector.broadcast %broadcast_in_dim3A_171 : f32 to vector<16xf32>
      %swap3A_173 = arith.index_cast %scan3A_129 : i32 to index
      %swap3A_174 = arith.constant 96 : index
      %swap3A_175 = tpu.vector_load %arg11[%swap3A_173, %swap3A_174] {strides = array<i32>} : memref<128x128xf32, #tpu.memory_space<vmem>>, vector<1x16xf32>,
      %swap3A_176 = vector.shape_cast %swap3A_175 : vector<1x16xf32> to vector<16xf32>
      %swap3A_177 = vector.shape_cast %broadcast_in_dim3A_172 : vector<16xf32> to vector<1x16xf32>
      tpu.vector_store %arg11[%swap3A_173, %swap3A_174], %swap3A_177 {strides = array<i32>} : memref<128x128xf32, #tpu.memory_space<vmem>>, vector<1x16xf32>,
      %broadcast_in_dim3A_178 = arith.constant 0.000000e+00 : f32
      %broadcast_in_dim3A_179 = vector.broadcast %broadcast_in_dim3A_178 : f32 to vector<16xf32>
      %swap3A_180 = arith.index_cast %scan3A_129 : i32 to index
      %swap3A_181 = arith.constant 112 : index
      %swap3A_182 = tpu.vector_load %arg11[%swap3A_180, %swap3A_181] {strides = array<i32>} : memref<128x128xf32, #tpu.memory_space<vmem>>, vector<1x16xf32>,
      %swap3A_183 = vector.shape_cast %swap3A_182 : vector<1x16xf32> to vector<16xf32>
      %swap3A_184 = vector.shape_cast %broadcast_in_dim3A_179 : vector<16xf32> to vector<1x16xf32>
      tpu.vector_store %arg11[%swap3A_180, %swap3A_181], %swap3A_184 {strides = array<i32>} : memref<128x128xf32, #tpu.memory_space<vmem>>, vector<1x16xf32>,
    }
    %scan3A_7 = arith.constant 125 : i32
    %scan3A_8 = arith.constant 0 : i32
    %scan3A_9 = arith.constant 0 : i32
    %scan3A_10 = arith.constant 5 : i32
    %scan3A_11 = arith.addi %scan3A_9, %scan3A_10 : i32
    %scan3A_12 = arith.constant 1 : i32
    scf.for %scan3A_129 = %scan3A_9 to %scan3A_11 step %scan3A_12  : i32 {
      %mul3A_130 = arith.constant 625 : i32
      %mul3A_131 = arith.muli %arg1, %mul3A_130 : i32
      %mul3A_132 = arith.constant 125 : i32
      %mul3A_133 = arith.muli %scan3A_129, %mul3A_132 : i32
      %add3A_134 = arith.addi %mul3A_131, %mul3A_133 : i32
      "tpu.region"() ({
        %run_scoped3A = tpu.sem_alloc : memref<!tpu.dma_semaphore, #tpu.memory_space<semaphore_mem>>
        %dma_start3A_135 = arith.constant 0 : i32
        %dma_start3A_136 = arith.constant 0 : i32
        %dma_start3A_137 = tpu.memref_slice %arg11[%dma_start3A_135, %dma_start3A_136] : memref<128x128xf32, #tpu.memory_space<vmem>> -> memref<125x128xf32, #tpu.memory_space<vmem>>
        %dma_start3A_138 = arith.constant 0 : i32
        %dma_start3A_139 = tpu.memref_slice %arg13[%add3A_134, %dma_start3A_138] : memref<10000x128xf32, #tpu.memory_space<vmem_shared>> -> memref<125x128xf32, #tpu.memory_space<vmem_shared>>
        %dma_start3A_140 = arith.constant 0 : i32
        %dma_start3A_141 = tpu.memref_slice %arg13[%add3A_134, %dma_start3A_140] : memref<10000x128xf32, #tpu.memory_space<vmem_shared>> -> memref<125x128xf32, #tpu.memory_space<vmem_shared>>
        %dma_start3A_142 = arith.constant 0 : i32
        %dma_start3A_143 = arith.constant 0 : i32
        %dma_start3A_144 = tpu.memref_slice %arg11[%dma_start3A_142, %dma_start3A_143] : memref<128x128xf32, #tpu.memory_space<vmem>> -> memref<125x128xf32, #tpu.memory_space<vmem>>
        tpu.enqueue_dma source(%dma_start3A_144 : memref<125x128xf32, #tpu.memory_space<vmem>>) target(%dma_start3A_141 : memref<125x128xf32, #tpu.memory_space<vmem_shared>>) target_semaphore(%run_scoped3A : memref<!tpu.dma_semaphore, #tpu.memory_space<semaphore_mem>>)
        %dma_wait3A_145 = arith.constant 0 : i32
        %dma_wait3A_146 = arith.constant 0 : i32
        %dma_wait3A_147 = tpu.memref_slice %arg11[%dma_wait3A_145, %dma_wait3A_146] : memref<128x128xf32, #tpu.memory_space<vmem>> -> memref<125x128xf32, #tpu.memory_space<vmem>>
        %dma_wait3A_148 = arith.constant 0 : i32
        %dma_wait3A_149 = tpu.memref_slice %arg13[%add3A_134, %dma_wait3A_148] : memref<10000x128xf32, #tpu.memory_space<vmem_shared>> -> memref<125x128xf32, #tpu.memory_space<vmem_shared>>
        %dma_wait3A_150 = arith.constant 0 : i32
        %dma_wait3A_151 = tpu.memref_slice %arg13[%add3A_134, %dma_wait3A_150] : memref<10000x128xf32, #tpu.memory_space<vmem_shared>> -> memref<125x128xf32, #tpu.memory_space<vmem_shared>>
        %dma_wait3A_152 = arith.constant 0 : i32
        %dma_wait3A_153 = arith.constant 0 : i32
        %dma_wait3A_154 = tpu.memref_slice %arg11[%dma_wait3A_152, %dma_wait3A_153] : memref<128x128xf32, #tpu.memory_space<vmem>> -> memref<125x128xf32, #tpu.memory_space<vmem>>
        tpu.wait_dma2 semaphore(%run_scoped3A : memref<!tpu.dma_semaphore, #tpu.memory_space<semaphore_mem>>) src(%dma_wait3A_154 : memref<125x128xf32, #tpu.memory_space<vmem>>) dst(%dma_wait3A_151 : memref<125x128xf32, #tpu.memory_space<vmem_shared>>)
        tpu.yield
      }) : () -> ()
    }
    %scan3A_13 = arith.constant 5 : i32
    %barrier3A = arith.constant 0 : index
    tpu.barrier barrier_id(%barrier3A)
    %get3A = arith.constant 0 : index
    %get3A_14 = tpu.vector_load %arg5[%get3A] {strides = array<i32>} : memref<10240xi32, #tpu.memory_space<vmem>>, vector<16xi32>,
    %get3A_15 = vector.shape_cast %get3A_14 : vector<16xi32> to vector<16xi32>
    %and3A = arith.constant 65535 : i32
    %and3A_16 = vector.broadcast %and3A : i32 to vector<16xi32>
    %and3A_17 = arith.andi %get3A_15, %and3A_16 : vector<16xi32>
    %swap3A = arith.constant 0 : index
    %swap3A_18 = tpu.vector_load %arg6[%swap3A] {strides = array<i32>} : memref<128xi32, #tpu.memory_space<vmem>>, vector<16xi32>,
    %swap3A_19 = vector.shape_cast %swap3A_18 : vector<16xi32> to vector<16xi32>
    %swap3A_20 = vector.shape_cast %and3A_17 : vector<16xi32> to vector<16xi32>
    tpu.vector_store %arg6[%swap3A], %swap3A_20 {strides = array<i32>} : memref<128xi32, #tpu.memory_space<vmem>>, vector<16xi32>,
    %get3A_21 = arith.constant 16 : index
    %get3A_22 = tpu.vector_load %arg5[%get3A_21] {strides = array<i32>} : memref<10240xi32, #tpu.memory_space<vmem>>, vector<16xi32>,
    %get3A_23 = vector.shape_cast %get3A_22 : vector<16xi32> to vector<16xi32>
    %and3A_24 = arith.constant 65535 : i32
    %and3A_25 = vector.broadcast %and3A_24 : i32 to vector<16xi32>
    %and3A_26 = arith.andi %get3A_23, %and3A_25 : vector<16xi32>
    %swap3A_27 = arith.constant 16 : index
    %swap3A_28 = tpu.vector_load %arg6[%swap3A_27] {strides = array<i32>} : memref<128xi32, #tpu.memory_space<vmem>>, vector<16xi32>,
    %swap3A_29 = vector.shape_cast %swap3A_28 : vector<16xi32> to vector<16xi32>
    %swap3A_30 = vector.shape_cast %and3A_26 : vector<16xi32> to vector<16xi32>
    tpu.vector_store %arg6[%swap3A_27], %swap3A_30 {strides = array<i32>} : memref<128xi32, #tpu.memory_space<vmem>>, vector<16xi32>,
    %get3A_31 = arith.constant 32 : index
    %get3A_32 = tpu.vector_load %arg5[%get3A_31] {strides = array<i32>} : memref<10240xi32, #tpu.memory_space<vmem>>, vector<16xi32>,
    %get3A_33 = vector.shape_cast %get3A_32 : vector<16xi32> to vector<16xi32>
    %and3A_34 = arith.constant 65535 : i32
    %and3A_35 = vector.broadcast %and3A_34 : i32 to vector<16xi32>
    %and3A_36 = arith.andi %get3A_33, %and3A_35 : vector<16xi32>
    %swap3A_37 = arith.constant 32 : index
    %swap3A_38 = tpu.vector_load %arg6[%swap3A_37] {strides = array<i32>} : memref<128xi32, #tpu.memory_space<vmem>>, vector<16xi32>,
    %swap3A_39 = vector.shape_cast %swap3A_38 : vector<16xi32> to vector<16xi32>
    %swap3A_40 = vector.shape_cast %and3A_36 : vector<16xi32> to vector<16xi32>
    tpu.vector_store %arg6[%swap3A_37], %swap3A_40 {strides = array<i32>} : memref<128xi32, #tpu.memory_space<vmem>>, vector<16xi32>,
    %get3A_41 = arith.constant 48 : index
    %get3A_42 = tpu.vector_load %arg5[%get3A_41] {strides = array<i32>} : memref<10240xi32, #tpu.memory_space<vmem>>, vector<16xi32>,
    %get3A_43 = vector.shape_cast %get3A_42 : vector<16xi32> to vector<16xi32>
    %and3A_44 = arith.constant 65535 : i32
    %and3A_45 = vector.broadcast %and3A_44 : i32 to vector<16xi32>
    %and3A_46 = arith.andi %get3A_43, %and3A_45 : vector<16xi32>
    %swap3A_47 = arith.constant 48 : index
    %swap3A_48 = tpu.vector_load %arg6[%swap3A_47] {strides = array<i32>} : memref<128xi32, #tpu.memory_space<vmem>>, vector<16xi32>,
    %swap3A_49 = vector.shape_cast %swap3A_48 : vector<16xi32> to vector<16xi32>
    %swap3A_50 = vector.shape_cast %and3A_46 : vector<16xi32> to vector<16xi32>
    tpu.vector_store %arg6[%swap3A_47], %swap3A_50 {strides = array<i32>} : memref<128xi32, #tpu.memory_space<vmem>>, vector<16xi32>,
    %get3A_51 = arith.constant 64 : index
    %get3A_52 = tpu.vector_load %arg5[%get3A_51] {strides = array<i32>} : memref<10240xi32, #tpu.memory_space<vmem>>, vector<16xi32>,
    %get3A_53 = vector.shape_cast %get3A_52 : vector<16xi32> to vector<16xi32>
    %and3A_54 = arith.constant 65535 : i32
    %and3A_55 = vector.broadcast %and3A_54 : i32 to vector<16xi32>
    %and3A_56 = arith.andi %get3A_53, %and3A_55 : vector<16xi32>
    %swap3A_57 = arith.constant 64 : index
    %swap3A_58 = tpu.vector_load %arg6[%swap3A_57] {strides = array<i32>} : memref<128xi32, #tpu.memory_space<vmem>>, vector<16xi32>,
    %swap3A_59 = vector.shape_cast %swap3A_58 : vector<16xi32> to vector<16xi32>
    %swap3A_60 = vector.shape_cast %and3A_56 : vector<16xi32> to vector<16xi32>
    tpu.vector_store %arg6[%swap3A_57], %swap3A_60 {strides = array<i32>} : memref<128xi32, #tpu.memory_space<vmem>>, vector<16xi32>,
    %get3A_61 = arith.constant 80 : index
    %get3A_62 = tpu.vector_load %arg5[%get3A_61] {strides = array<i32>} : memref<10240xi32, #tpu.memory_space<vmem>>, vector<16xi32>,
    %get3A_63 = vector.shape_cast %get3A_62 : vector<16xi32> to vector<16xi32>
    %and3A_64 = arith.constant 65535 : i32
    %and3A_65 = vector.broadcast %and3A_64 : i32 to vector<16xi32>
    %and3A_66 = arith.andi %get3A_63, %and3A_65 : vector<16xi32>
    %swap3A_67 = arith.constant 80 : index
    %swap3A_68 = tpu.vector_load %arg6[%swap3A_67] {strides = array<i32>} : memref<128xi32, #tpu.memory_space<vmem>>, vector<16xi32>,
    %swap3A_69 = vector.shape_cast %swap3A_68 : vector<16xi32> to vector<16xi32>
    %swap3A_70 = vector.shape_cast %and3A_66 : vector<16xi32> to vector<16xi32>
    tpu.vector_store %arg6[%swap3A_67], %swap3A_70 {strides = array<i32>} : memref<128xi32, #tpu.memory_space<vmem>>, vector<16xi32>,
    %get3A_71 = arith.constant 96 : index
    %get3A_72 = tpu.vector_load %arg5[%get3A_71] {strides = array<i32>} : memref<10240xi32, #tpu.memory_space<vmem>>, vector<16xi32>,
    %get3A_73 = vector.shape_cast %get3A_72 : vector<16xi32> to vector<16xi32>
    %and3A_74 = arith.constant 65535 : i32
    %and3A_75 = vector.broadcast %and3A_74 : i32 to vector<16xi32>
    %and3A_76 = arith.andi %get3A_73, %and3A_75 : vector<16xi32>
    %swap3A_77 = arith.constant 96 : index
    %swap3A_78 = tpu.vector_load %arg6[%swap3A_77] {strides = array<i32>} : memref<128xi32, #tpu.memory_space<vmem>>, vector<16xi32>,
    %swap3A_79 = vector.shape_cast %swap3A_78 : vector<16xi32> to vector<16xi32>
    %swap3A_80 = vector.shape_cast %and3A_76 : vector<16xi32> to vector<16xi32>
    tpu.vector_store %arg6[%swap3A_77], %swap3A_80 {strides = array<i32>} : memref<128xi32, #tpu.memory_space<vmem>>, vector<16xi32>,
    %get3A_81 = arith.constant 112 : index
    %get3A_82 = tpu.vector_load %arg5[%get3A_81] {strides = array<i32>} : memref<10240xi32, #tpu.memory_space<vmem>>, vector<16xi32>,
    %get3A_83 = vector.shape_cast %get3A_82 : vector<16xi32> to vector<16xi32>
    %and3A_84 = arith.constant 65535 : i32
    %and3A_85 = vector.broadcast %and3A_84 : i32 to vector<16xi32>
    %and3A_86 = arith.andi %get3A_83, %and3A_85 : vector<16xi32>
    %swap3A_87 = arith.constant 112 : index
    %swap3A_88 = tpu.vector_load %arg6[%swap3A_87] {strides = array<i32>} : memref<128xi32, #tpu.memory_space<vmem>>, vector<16xi32>,
    %swap3A_89 = vector.shape_cast %swap3A_88 : vector<16xi32> to vector<16xi32>
    %swap3A_90 = vector.shape_cast %and3A_86 : vector<16xi32> to vector<16xi32>
    tpu.vector_store %arg6[%swap3A_87], %swap3A_90 {strides = array<i32>} : memref<128xi32, #tpu.memory_space<vmem>>, vector<16xi32>,
    %dma_start3A = arith.constant 0 : i32
    %dma_start3A_91 = arith.constant 0 : i32
    %dma_start3A_92 = tpu.memref_slice %arg2[%dma_start3A, %dma_start3A_91] : memref<10000x128xf32, #tpu.memory_space<hbm>> -> memref<10000x128xf32, #tpu.memory_space<hbm>>
    tpu.enqueue_indirect_dma source(%dma_start3A_92 : memref<10000x128xf32, #tpu.memory_space<hbm>>) target(%arg11 : memref<128x128xf32, #tpu.memory_space<vmem>>) offsets(%arg6 : memref<128xi32, #tpu.memory_space<vmem>>) semaphore(%arg14 : memref<!tpu.dma_semaphore, #tpu.memory_space<semaphore_mem>>)
    %scan3A_93 = arith.constant 0 : i32
    %scan3A_94 = arith.constant 0 : i32
    %scan3A_95 = arith.constant 39 : i32
    %scan3A_96 = arith.addi %scan3A_94, %scan3A_95 : i32
    %scan3A_97 = arith.constant 1 : i32
    scf.for %scan3A_129 = %scan3A_94 to %scan3A_96 step %scan3A_97  : i32 {
      %mul3A_130 = arith.constant 2 : i32
      %mul3A_131 = arith.muli %mul3A_130, %scan3A_129 : i32
      %add3A_132 = arith.constant 1 : i32
      %add3A_133 = arith.addi %mul3A_131, %add3A_132 : i32
      %mul3A_134 = arith.constant 128 : i32
      %mul3A_135 = arith.muli %add3A_133, %mul3A_134 : i32
      %add3A_136 = arith.constant 0 : i32
      %add3A_137 = arith.addi %mul3A_135, %add3A_136 : i32
      %get3A_138 = arith.index_cast %add3A_137 : i32 to index
      %get3A_139 = tpu.vector_load %arg5[%get3A_138] {strides = array<i32>} : memref<10240xi32, #tpu.memory_space<vmem>>, vector<16xi32>,
      %get3A_140 = vector.shape_cast %get3A_139 : vector<16xi32> to vector<16xi32>
      %and3A_141 = arith.constant 65535 : i32
      %and3A_142 = vector.broadcast %and3A_141 : i32 to vector<16xi32>
      %and3A_143 = arith.andi %get3A_140, %and3A_142 : vector<16xi32>
      %swap3A_144 = arith.constant 0 : index
      %swap3A_145 = tpu.vector_load %arg7[%swap3A_144] {strides = array<i32>} : memref<128xi32, #tpu.memory_space<vmem>>, vector<16xi32>,
      %swap3A_146 = vector.shape_cast %swap3A_145 : vector<16xi32> to vector<16xi32>
      %swap3A_147 = vector.shape_cast %and3A_143 : vector<16xi32> to vector<16xi32>
      tpu.vector_store %arg7[%swap3A_144], %swap3A_147 {strides = array<i32>} : memref<128xi32, #tpu.memory_space<vmem>>, vector<16xi32>,
      %mul3A_148 = arith.constant 128 : i32
      %mul3A_149 = arith.muli %add3A_133, %mul3A_148 : i32
      %add3A_150 = arith.constant 16 : i32
      %add3A_151 = arith.addi %mul3A_149, %add3A_150 : i32
      %get3A_152 = arith.index_cast %add3A_151 : i32 to index
      %get3A_153 = tpu.vector_load %arg5[%get3A_152] {strides = array<i32>} : memref<10240xi32, #tpu.memory_space<vmem>>, vector<16xi32>,
      %get3A_154 = vector.shape_cast %get3A_153 : vector<16xi32> to vector<16xi32>
      %and3A_155 = arith.constant 65535 : i32
      %and3A_156 = vector.broadcast %and3A_155 : i32 to vector<16xi32>
      %and3A_157 = arith.andi %get3A_154, %and3A_156 : vector<16xi32>
      %swap3A_158 = arith.constant 16 : index
      %swap3A_159 = tpu.vector_load %arg7[%swap3A_158] {strides = array<i32>} : memref<128xi32, #tpu.memory_space<vmem>>, vector<16xi32>,
      %swap3A_160 = vector.shape_cast %swap3A_159 : vector<16xi32> to vector<16xi32>
      %swap3A_161 = vector.shape_cast %and3A_157 : vector<16xi32> to vector<16xi32>
      tpu.vector_store %arg7[%swap3A_158], %swap3A_161 {strides = array<i32>} : memref<128xi32, #tpu.memory_space<vmem>>, vector<16xi32>,
      %mul3A_162 = arith.constant 128 : i32
      %mul3A_163 = arith.muli %add3A_133, %mul3A_162 : i32
      %add3A_164 = arith.constant 32 : i32
      %add3A_165 = arith.addi %mul3A_163, %add3A_164 : i32
      %get3A_166 = arith.index_cast %add3A_165 : i32 to index
      %get3A_167 = tpu.vector_load %arg5[%get3A_166] {strides = array<i32>} : memref<10240xi32, #tpu.memory_space<vmem>>, vector<16xi32>,
      %get3A_168 = vector.shape_cast %get3A_167 : vector<16xi32> to vector<16xi32>
      %and3A_169 = arith.constant 65535 : i32
      %and3A_170 = vector.broadcast %and3A_169 : i32 to vector<16xi32>
      %and3A_171 = arith.andi %get3A_168, %and3A_170 : vector<16xi32>
      %swap3A_172 = arith.constant 32 : index
      %swap3A_173 = tpu.vector_load %arg7[%swap3A_172] {strides = array<i32>} : memref<128xi32, #tpu.memory_space<vmem>>, vector<16xi32>,
      %swap3A_174 = vector.shape_cast %swap3A_173 : vector<16xi32> to vector<16xi32>
      %swap3A_175 = vector.shape_cast %and3A_171 : vector<16xi32> to vector<16xi32>
      tpu.vector_store %arg7[%swap3A_172], %swap3A_175 {strides = array<i32>} : memref<128xi32, #tpu.memory_space<vmem>>, vector<16xi32>,
      %mul3A_176 = arith.constant 128 : i32
      %mul3A_177 = arith.muli %add3A_133, %mul3A_176 : i32
      %add3A_178 = arith.constant 48 : i32
      %add3A_179 = arith.addi %mul3A_177, %add3A_178 : i32
      %get3A_180 = arith.index_cast %add3A_179 : i32 to index
      %get3A_181 = tpu.vector_load %arg5[%get3A_180] {strides = array<i32>} : memref<10240xi32, #tpu.memory_space<vmem>>, vector<16xi32>,
      %get3A_182 = vector.shape_cast %get3A_181 : vector<16xi32> to vector<16xi32>
      %and3A_183 = arith.constant 65535 : i32
      %and3A_184 = vector.broadcast %and3A_183 : i32 to vector<16xi32>
      %and3A_185 = arith.andi %get3A_182, %and3A_184 : vector<16xi32>
      %swap3A_186 = arith.constant 48 : index
      %swap3A_187 = tpu.vector_load %arg7[%swap3A_186] {strides = array<i32>} : memref<128xi32, #tpu.memory_space<vmem>>, vector<16xi32>,
      %swap3A_188 = vector.shape_cast %swap3A_187 : vector<16xi32> to vector<16xi32>
      %swap3A_189 = vector.shape_cast %and3A_185 : vector<16xi32> to vector<16xi32>
      tpu.vector_store %arg7[%swap3A_186], %swap3A_189 {strides = array<i32>} : memref<128xi32, #tpu.memory_space<vmem>>, vector<16xi32>,
      %mul3A_190 = arith.constant 128 : i32
      %mul3A_191 = arith.muli %add3A_133, %mul3A_190 : i32
      %add3A_192 = arith.constant 64 : i32
      %add3A_193 = arith.addi %mul3A_191, %add3A_192 : i32
      %get3A_194 = arith.index_cast %add3A_193 : i32 to index
      %get3A_195 = tpu.vector_load %arg5[%get3A_194] {strides = array<i32>} : memref<10240xi32, #tpu.memory_space<vmem>>, vector<16xi32>,
      %get3A_196 = vector.shape_cast %get3A_195 : vector<16xi32> to vector<16xi32>
      %and3A_197 = arith.constant 65535 : i32
      %and3A_198 = vector.broadcast %and3A_197 : i32 to vector<16xi32>
      %and3A_199 = arith.andi %get3A_196, %and3A_198 : vector<16xi32>
      %swap3A_200 = arith.constant 64 : index
      %swap3A_201 = tpu.vector_load %arg7[%swap3A_200] {strides = array<i32>} : memref<128xi32, #tpu.memory_space<vmem>>, vector<16xi32>,
      %swap3A_202 = vector.shape_cast %swap3A_201 : vector<16xi32> to vector<16xi32>
      %swap3A_203 = vector.shape_cast %and3A_199 : vector<16xi32> to vector<16xi32>
      tpu.vector_store %arg7[%swap3A_200], %swap3A_203 {strides = array<i32>} : memref<128xi32, #tpu.memory_space<vmem>>, vector<16xi32>,
      %mul3A_204 = arith.constant 128 : i32
      %mul3A_205 = arith.muli %add3A_133, %mul3A_204 : i32
      %add3A_206 = arith.constant 80 : i32
      %add3A_207 = arith.addi %mul3A_205, %add3A_206 : i32
      %get3A_208 = arith.index_cast %add3A_207 : i32 to index
      %get3A_209 = tpu.vector_load %arg5[%get3A_208] {strides = array<i32>} : memref<10240xi32, #tpu.memory_space<vmem>>, vector<16xi32>,
      %get3A_210 = vector.shape_cast %get3A_209 : vector<16xi32> to vector<16xi32>
      %and3A_211 = arith.constant 65535 : i32
      %and3A_212 = vector.broadcast %and3A_211 : i32 to vector<16xi32>
      %and3A_213 = arith.andi %get3A_210, %and3A_212 : vector<16xi32>
      %swap3A_214 = arith.constant 80 : index
      %swap3A_215 = tpu.vector_load %arg7[%swap3A_214] {strides = array<i32>} : memref<128xi32, #tpu.memory_space<vmem>>, vector<16xi32>,
      %swap3A_216 = vector.shape_cast %swap3A_215 : vector<16xi32> to vector<16xi32>
      %swap3A_217 = vector.shape_cast %and3A_213 : vector<16xi32> to vector<16xi32>
      tpu.vector_store %arg7[%swap3A_214], %swap3A_217 {strides = array<i32>} : memref<128xi32, #tpu.memory_space<vmem>>, vector<16xi32>,
      %mul3A_218 = arith.constant 128 : i32
      %mul3A_219 = arith.muli %add3A_133, %mul3A_218 : i32
      %add3A_220 = arith.constant 96 : i32
      %add3A_221 = arith.addi %mul3A_219, %add3A_220 : i32
      %get3A_222 = arith.index_cast %add3A_221 : i32 to index
      %get3A_223 = tpu.vector_load %arg5[%get3A_222] {strides = array<i32>} : memref<10240xi32, #tpu.memory_space<vmem>>, vector<16xi32>,
      %get3A_224 = vector.shape_cast %get3A_223 : vector<16xi32> to vector<16xi32>
      %and3A_225 = arith.constant 65535 : i32
      %and3A_226 = vector.broadcast %and3A_225 : i32 to vector<16xi32>
      %and3A_227 = arith.andi %get3A_224, %and3A_226 : vector<16xi32>
      %swap3A_228 = arith.constant 96 : index
      %swap3A_229 = tpu.vector_load %arg7[%swap3A_228] {strides = array<i32>} : memref<128xi32, #tpu.memory_space<vmem>>, vector<16xi32>,
      %swap3A_230 = vector.shape_cast %swap3A_229 : vector<16xi32> to vector<16xi32>
      %swap3A_231 = vector.shape_cast %and3A_227 : vector<16xi32> to vector<16xi32>
      tpu.vector_store %arg7[%swap3A_228], %swap3A_231 {strides = array<i32>} : memref<128xi32, #tpu.memory_space<vmem>>, vector<16xi32>,
      %mul3A_232 = arith.constant 128 : i32
      %mul3A_233 = arith.muli %add3A_133, %mul3A_232 : i32
      %add3A_234 = arith.constant 112 : i32
      %add3A_235 = arith.addi %mul3A_233, %add3A_234 : i32
      %get3A_236 = arith.index_cast %add3A_235 : i32 to index
      %get3A_237 = tpu.vector_load %arg5[%get3A_236] {strides = array<i32>} : memref<10240xi32, #tpu.memory_space<vmem>>, vector<16xi32>,
      %get3A_238 = vector.shape_cast %get3A_237 : vector<16xi32> to vector<16xi32>
      %and3A_239 = arith.constant 65535 : i32
      %and3A_240 = vector.broadcast %and3A_239 : i32 to vector<16xi32>
      %and3A_241 = arith.andi %get3A_238, %and3A_240 : vector<16xi32>
      %swap3A_242 = arith.constant 112 : index
      %swap3A_243 = tpu.vector_load %arg7[%swap3A_242] {strides = array<i32>} : memref<128xi32, #tpu.memory_space<vmem>>, vector<16xi32>,
      %swap3A_244 = vector.shape_cast %swap3A_243 : vector<16xi32> to vector<16xi32>
      %swap3A_245 = vector.shape_cast %and3A_241 : vector<16xi32> to vector<16xi32>
      tpu.vector_store %arg7[%swap3A_242], %swap3A_245 {strides = array<i32>} : memref<128xi32, #tpu.memory_space<vmem>>, vector<16xi32>,
      %dma_start3A_246 = arith.constant 0 : i32
      %dma_start3A_247 = arith.constant 0 : i32
      %dma_start3A_248 = tpu.memref_slice %arg2[%dma_start3A_246, %dma_start3A_247] : memref<10000x128xf32, #tpu.memory_space<hbm>> -> memref<10000x128xf32, #tpu.memory_space<hbm>>
      tpu.enqueue_indirect_dma source(%dma_start3A_248 : memref<10000x128xf32, #tpu.memory_space<hbm>>) target(%arg12 : memref<128x128xf32, #tpu.memory_space<vmem>>) offsets(%arg7 : memref<128xi32, #tpu.memory_space<vmem>>) semaphore(%arg15 : memref<!tpu.dma_semaphore, #tpu.memory_space<semaphore_mem>>)
      %dma_wait3A_249 = arith.constant 0 : i32
      %dma_wait3A_250 = arith.constant 0 : i32
      %dma_wait3A_251 = tpu.memref_slice %arg2[%dma_wait3A_249, %dma_wait3A_250] : memref<10000x128xf32, #tpu.memory_space<hbm>> -> memref<10000x128xf32, #tpu.memory_space<hbm>>
      tpu.wait_indirect_dma semaphore(%arg14 : memref<!tpu.dma_semaphore, #tpu.memory_space<semaphore_mem>>) src(%dma_wait3A_251 : memref<10000x128xf32, #tpu.memory_space<hbm>>) dst(%arg11 : memref<128x128xf32, #tpu.memory_space<vmem>>)
      %mul3A_252 = arith.constant 128 : i32
      %mul3A_253 = arith.muli %mul3A_131, %mul3A_252 : i32
      %add3A_254 = arith.constant 0 : i32
      %add3A_255 = arith.addi %mul3A_253, %add3A_254 : i32
      %get3A_256 = arith.index_cast %add3A_255 : i32 to index
      %get3A_257 = tpu.vector_load %arg5[%get3A_256] {strides = array<i32>} : memref<10240xi32, #tpu.memory_space<vmem>>, vector<16xi32>,
      %get3A_258 = vector.shape_cast %get3A_257 : vector<16xi32> to vector<16xi32>
      %shift_right_logical3A_259 = arith.constant 16 : i32
      %shift_right_logical3A_260 = vector.broadcast %shift_right_logical3A_259 : i32 to vector<16xi32>
      %shift_right_logical3A_261 = arith.shrui %get3A_258, %shift_right_logical3A_260 : vector<16xi32>
      %swap3A_262 = arith.constant 0 : index
      %swap3A_263 = tpu.vector_load %arg8[%swap3A_262] {strides = array<i32>} : memref<128xi32, #tpu.memory_space<vmem>>, vector<16xi32>,
      %swap3A_264 = vector.shape_cast %swap3A_263 : vector<16xi32> to vector<16xi32>
      %swap3A_265 = vector.shape_cast %shift_right_logical3A_261 : vector<16xi32> to vector<16xi32>
      tpu.vector_store %arg8[%swap3A_262], %swap3A_265 {strides = array<i32>} : memref<128xi32, #tpu.memory_space<vmem>>, vector<16xi32>,
      %mul3A_266 = arith.constant 128 : i32
      %mul3A_267 = arith.muli %mul3A_131, %mul3A_266 : i32
      %add3A_268 = arith.constant 16 : i32
      %add3A_269 = arith.addi %mul3A_267, %add3A_268 : i32
      %get3A_270 = arith.index_cast %add3A_269 : i32 to index
      %get3A_271 = tpu.vector_load %arg5[%get3A_270] {strides = array<i32>} : memref<10240xi32, #tpu.memory_space<vmem>>, vector<16xi32>,
      %get3A_272 = vector.shape_cast %get3A_271 : vector<16xi32> to vector<16xi32>
      %shift_right_logical3A_273 = arith.constant 16 : i32
      %shift_right_logical3A_274 = vector.broadcast %shift_right_logical3A_273 : i32 to vector<16xi32>
      %shift_right_logical3A_275 = arith.shrui %get3A_272, %shift_right_logical3A_274 : vector<16xi32>
      %swap3A_276 = arith.constant 16 : index
      %swap3A_277 = tpu.vector_load %arg8[%swap3A_276] {strides = array<i32>} : memref<128xi32, #tpu.memory_space<vmem>>, vector<16xi32>,
      %swap3A_278 = vector.shape_cast %swap3A_277 : vector<16xi32> to vector<16xi32>
      %swap3A_279 = vector.shape_cast %shift_right_logical3A_275 : vector<16xi32> to vector<16xi32>
      tpu.vector_store %arg8[%swap3A_276], %swap3A_279 {strides = array<i32>} : memref<128xi32, #tpu.memory_space<vmem>>, vector<16xi32>,
      %mul3A_280 = arith.constant 128 : i32
      %mul3A_281 = arith.muli %mul3A_131, %mul3A_280 : i32
      %add3A_282 = arith.constant 32 : i32
      %add3A_283 = arith.addi %mul3A_281, %add3A_282 : i32
      %get3A_284 = arith.index_cast %add3A_283 : i32 to index
      %get3A_285 = tpu.vector_load %arg5[%get3A_284] {strides = array<i32>} : memref<10240xi32, #tpu.memory_space<vmem>>, vector<16xi32>,
      %get3A_286 = vector.shape_cast %get3A_285 : vector<16xi32> to vector<16xi32>
      %shift_right_logical3A_287 = arith.constant 16 : i32
      %shift_right_logical3A_288 = vector.broadcast %shift_right_logical3A_287 : i32 to vector<16xi32>
      %shift_right_logical3A_289 = arith.shrui %get3A_286, %shift_right_logical3A_288 : vector<16xi32>
      %swap3A_290 = arith.constant 32 : index
      %swap3A_291 = tpu.vector_load %arg8[%swap3A_290] {strides = array<i32>} : memref<128xi32, #tpu.memory_space<vmem>>, vector<16xi32>,
      %swap3A_292 = vector.shape_cast %swap3A_291 : vector<16xi32> to vector<16xi32>
      %swap3A_293 = vector.shape_cast %shift_right_logical3A_289 : vector<16xi32> to vector<16xi32>
      tpu.vector_store %arg8[%swap3A_290], %swap3A_293 {strides = array<i32>} : memref<128xi32, #tpu.memory_space<vmem>>, vector<16xi32>,
      %mul3A_294 = arith.constant 128 : i32
      %mul3A_295 = arith.muli %mul3A_131, %mul3A_294 : i32
      %add3A_296 = arith.constant 48 : i32
      %add3A_297 = arith.addi %mul3A_295, %add3A_296 : i32
      %get3A_298 = arith.index_cast %add3A_297 : i32 to index
      %get3A_299 = tpu.vector_load %arg5[%get3A_298] {strides = array<i32>} : memref<10240xi32, #tpu.memory_space<vmem>>, vector<16xi32>,
      %get3A_300 = vector.shape_cast %get3A_299 : vector<16xi32> to vector<16xi32>
      %shift_right_logical3A_301 = arith.constant 16 : i32
      %shift_right_logical3A_302 = vector.broadcast %shift_right_logical3A_301 : i32 to vector<16xi32>
      %shift_right_logical3A_303 = arith.shrui %get3A_300, %shift_right_logical3A_302 : vector<16xi32>
      %swap3A_304 = arith.constant 48 : index
      %swap3A_305 = tpu.vector_load %arg8[%swap3A_304] {strides = array<i32>} : memref<128xi32, #tpu.memory_space<vmem>>, vector<16xi32>,
      %swap3A_306 = vector.shape_cast %swap3A_305 : vector<16xi32> to vector<16xi32>
      %swap3A_307 = vector.shape_cast %shift_right_logical3A_303 : vector<16xi32> to vector<16xi32>
      tpu.vector_store %arg8[%swap3A_304], %swap3A_307 {strides = array<i32>} : memref<128xi32, #tpu.memory_space<vmem>>, vector<16xi32>,
      %mul3A_308 = arith.constant 128 : i32
      %mul3A_309 = arith.muli %mul3A_131, %mul3A_308 : i32
      %add3A_310 = arith.constant 64 : i32
      %add3A_311 = arith.addi %mul3A_309, %add3A_310 : i32
      %get3A_312 = arith.index_cast %add3A_311 : i32 to index
      %get3A_313 = tpu.vector_load %arg5[%get3A_312] {strides = array<i32>} : memref<10240xi32, #tpu.memory_space<vmem>>, vector<16xi32>,
      %get3A_314 = vector.shape_cast %get3A_313 : vector<16xi32> to vector<16xi32>
      %shift_right_logical3A_315 = arith.constant 16 : i32
      %shift_right_logical3A_316 = vector.broadcast %shift_right_logical3A_315 : i32 to vector<16xi32>
      %shift_right_logical3A_317 = arith.shrui %get3A_314, %shift_right_logical3A_316 : vector<16xi32>
      %swap3A_318 = arith.constant 64 : index
      %swap3A_319 = tpu.vector_load %arg8[%swap3A_318] {strides = array<i32>} : memref<128xi32, #tpu.memory_space<vmem>>, vector<16xi32>,
      %swap3A_320 = vector.shape_cast %swap3A_319 : vector<16xi32> to vector<16xi32>
      %swap3A_321 = vector.shape_cast %shift_right_logical3A_317 : vector<16xi32> to vector<16xi32>
      tpu.vector_store %arg8[%swap3A_318], %swap3A_321 {strides = array<i32>} : memref<128xi32, #tpu.memory_space<vmem>>, vector<16xi32>,
      %mul3A_322 = arith.constant 128 : i32
      %mul3A_323 = arith.muli %mul3A_131, %mul3A_322 : i32
      %add3A_324 = arith.constant 80 : i32
      %add3A_325 = arith.addi %mul3A_323, %add3A_324 : i32
      %get3A_326 = arith.index_cast %add3A_325 : i32 to index
      %get3A_327 = tpu.vector_load %arg5[%get3A_326] {strides = array<i32>} : memref<10240xi32, #tpu.memory_space<vmem>>, vector<16xi32>,
      %get3A_328 = vector.shape_cast %get3A_327 : vector<16xi32> to vector<16xi32>
      %shift_right_logical3A_329 = arith.constant 16 : i32
      %shift_right_logical3A_330 = vector.broadcast %shift_right_logical3A_329 : i32 to vector<16xi32>
      %shift_right_logical3A_331 = arith.shrui %get3A_328, %shift_right_logical3A_330 : vector<16xi32>
      %swap3A_332 = arith.constant 80 : index
      %swap3A_333 = tpu.vector_load %arg8[%swap3A_332] {strides = array<i32>} : memref<128xi32, #tpu.memory_space<vmem>>, vector<16xi32>,
      %swap3A_334 = vector.shape_cast %swap3A_333 : vector<16xi32> to vector<16xi32>
      %swap3A_335 = vector.shape_cast %shift_right_logical3A_331 : vector<16xi32> to vector<16xi32>
      tpu.vector_store %arg8[%swap3A_332], %swap3A_335 {strides = array<i32>} : memref<128xi32, #tpu.memory_space<vmem>>, vector<16xi32>,
      %mul3A_336 = arith.constant 128 : i32
      %mul3A_337 = arith.muli %mul3A_131, %mul3A_336 : i32
      %add3A_338 = arith.constant 96 : i32
      %add3A_339 = arith.addi %mul3A_337, %add3A_338 : i32
      %get3A_340 = arith.index_cast %add3A_339 : i32 to index
      %get3A_341 = tpu.vector_load %arg5[%get3A_340] {strides = array<i32>} : memref<10240xi32, #tpu.memory_space<vmem>>, vector<16xi32>,
      %get3A_342 = vector.shape_cast %get3A_341 : vector<16xi32> to vector<16xi32>
      %shift_right_logical3A_343 = arith.constant 16 : i32
      %shift_right_logical3A_344 = vector.broadcast %shift_right_logical3A_343 : i32 to vector<16xi32>
      %shift_right_logical3A_345 = arith.shrui %get3A_342, %shift_right_logical3A_344 : vector<16xi32>
      %swap3A_346 = arith.constant 96 : index
      %swap3A_347 = tpu.vector_load %arg8[%swap3A_346] {strides = array<i32>} : memref<128xi32, #tpu.memory_space<vmem>>, vector<16xi32>,
      %swap3A_348 = vector.shape_cast %swap3A_347 : vector<16xi32> to vector<16xi32>
      %swap3A_349 = vector.shape_cast %shift_right_logical3A_345 : vector<16xi32> to vector<16xi32>
      tpu.vector_store %arg8[%swap3A_346], %swap3A_349 {strides = array<i32>} : memref<128xi32, #tpu.memory_space<vmem>>, vector<16xi32>,
      %mul3A_350 = arith.constant 128 : i32
      %mul3A_351 = arith.muli %mul3A_131, %mul3A_350 : i32
      %add3A_352 = arith.constant 112 : i32
      %add3A_353 = arith.addi %mul3A_351, %add3A_352 : i32
      %get3A_354 = arith.index_cast %add3A_353 : i32 to index
      %get3A_355 = tpu.vector_load %arg5[%get3A_354] {strides = array<i32>} : memref<10240xi32, #tpu.memory_space<vmem>>, vector<16xi32>,
      %get3A_356 = vector.shape_cast %get3A_355 : vector<16xi32> to vector<16xi32>
      %shift_right_logical3A_357 = arith.constant 16 : i32
      %shift_right_logical3A_358 = vector.broadcast %shift_right_logical3A_357 : i32 to vector<16xi32>
      %shift_right_logical3A_359 = arith.shrui %get3A_356, %shift_right_logical3A_358 : vector<16xi32>
      %swap3A_360 = arith.constant 112 : index
      %swap3A_361 = tpu.vector_load %arg8[%swap3A_360] {strides = array<i32>} : memref<128xi32, #tpu.memory_space<vmem>>, vector<16xi32>,
      %swap3A_362 = vector.shape_cast %swap3A_361 : vector<16xi32> to vector<16xi32>
      %swap3A_363 = vector.shape_cast %shift_right_logical3A_359 : vector<16xi32> to vector<16xi32>
      tpu.vector_store %arg8[%swap3A_360], %swap3A_363 {strides = array<i32>} : memref<128xi32, #tpu.memory_space<vmem>>, vector<16xi32>,
      "tpu.region"() ({
        %run_scoped3A = tpu.sem_alloc : memref<!tpu.dma_semaphore, #tpu.memory_space<semaphore_mem>>
        %dma_start3A_483 = arith.constant 0 : i32
        %dma_start3A_484 = arith.constant 0 : i32
        %dma_start3A_485 = tpu.memref_slice %arg13[%dma_start3A_483, %dma_start3A_484] : memref<10000x128xf32, #tpu.memory_space<vmem_shared>> -> memref<10000x128xf32, #tpu.memory_space<vmem_shared>>
        tpu.enqueue_indirect_dma source(%arg11 : memref<128x128xf32, #tpu.memory_space<vmem>>) target(%dma_start3A_485 : memref<10000x128xf32, #tpu.memory_space<vmem_shared>>) offsets(%arg8 : memref<128xi32, #tpu.memory_space<vmem>>) semaphore(%run_scoped3A : memref<!tpu.dma_semaphore, #tpu.memory_space<semaphore_mem>>) {add = true}
        %dma_wait3A_486 = arith.constant 0 : i32
        %dma_wait3A_487 = arith.constant 0 : i32
        %dma_wait3A_488 = tpu.memref_slice %arg13[%dma_wait3A_486, %dma_wait3A_487] : memref<10000x128xf32, #tpu.memory_space<vmem_shared>> -> memref<10000x128xf32, #tpu.memory_space<vmem_shared>>
        tpu.wait_indirect_dma semaphore(%run_scoped3A : memref<!tpu.dma_semaphore, #tpu.memory_space<semaphore_mem>>) src(%arg11 : memref<128x128xf32, #tpu.memory_space<vmem>>) dst(%dma_wait3A_488 : memref<10000x128xf32, #tpu.memory_space<vmem_shared>>)
        tpu.yield
      }) : () -> ()
      %lt3A = arith.constant 38 : i32
      %lt3A_364 = arith.cmpi slt, %scan3A_129, %lt3A : i32
      %convert_element_type3A = arith.extui %lt3A_364 : i1 to i32
      %cond3A = arith.constant 0 : i32
      %cond3A_365 = arith.cmpi ne, %convert_element_type3A, %cond3A : i32
      scf.if %cond3A_365 {
        %add3A_483 = arith.constant 2 : i32
        %add3A_484 = arith.addi %mul3A_131, %add3A_483 : i32
        %mul3A_485 = arith.constant 128 : i32
        %mul3A_486 = arith.muli %add3A_484, %mul3A_485 : i32
        %add3A_487 = arith.constant 0 : i32
        %add3A_488 = arith.addi %mul3A_486, %add3A_487 : i32
        %get3A_489 = arith.index_cast %add3A_488 : i32 to index
        %get3A_490 = tpu.vector_load %arg5[%get3A_489] {strides = array<i32>} : memref<10240xi32, #tpu.memory_space<vmem>>, vector<16xi32>,
        %get3A_491 = vector.shape_cast %get3A_490 : vector<16xi32> to vector<16xi32>
        %and3A_492 = arith.constant 65535 : i32
        %and3A_493 = vector.broadcast %and3A_492 : i32 to vector<16xi32>
        %and3A_494 = arith.andi %get3A_491, %and3A_493 : vector<16xi32>
        %swap3A_495 = arith.constant 0 : index
        %swap3A_496 = tpu.vector_load %arg6[%swap3A_495] {strides = array<i32>} : memref<128xi32, #tpu.memory_space<vmem>>, vector<16xi32>,
        %swap3A_497 = vector.shape_cast %swap3A_496 : vector<16xi32> to vector<16xi32>
        %swap3A_498 = vector.shape_cast %and3A_494 : vector<16xi32> to vector<16xi32>
        tpu.vector_store %arg6[%swap3A_495], %swap3A_498 {strides = array<i32>} : memref<128xi32, #tpu.memory_space<vmem>>, vector<16xi32>,
        %mul3A_499 = arith.constant 128 : i32
        %mul3A_500 = arith.muli %add3A_484, %mul3A_499 : i32
        %add3A_501 = arith.constant 16 : i32
        %add3A_502 = arith.addi %mul3A_500, %add3A_501 : i32
        %get3A_503 = arith.index_cast %add3A_502 : i32 to index
        %get3A_504 = tpu.vector_load %arg5[%get3A_503] {strides = array<i32>} : memref<10240xi32, #tpu.memory_space<vmem>>, vector<16xi32>,
        %get3A_505 = vector.shape_cast %get3A_504 : vector<16xi32> to vector<16xi32>
        %and3A_506 = arith.constant 65535 : i32
        %and3A_507 = vector.broadcast %and3A_506 : i32 to vector<16xi32>
        %and3A_508 = arith.andi %get3A_505, %and3A_507 : vector<16xi32>
        %swap3A_509 = arith.constant 16 : index
        %swap3A_510 = tpu.vector_load %arg6[%swap3A_509] {strides = array<i32>} : memref<128xi32, #tpu.memory_space<vmem>>, vector<16xi32>,
        %swap3A_511 = vector.shape_cast %swap3A_510 : vector<16xi32> to vector<16xi32>
        %swap3A_512 = vector.shape_cast %and3A_508 : vector<16xi32> to vector<16xi32>
        tpu.vector_store %arg6[%swap3A_509], %swap3A_512 {strides = array<i32>} : memref<128xi32, #tpu.memory_space<vmem>>, vector<16xi32>,
        %mul3A_513 = arith.constant 128 : i32
        %mul3A_514 = arith.muli %add3A_484, %mul3A_513 : i32
        %add3A_515 = arith.constant 32 : i32
        %add3A_516 = arith.addi %mul3A_514, %add3A_515 : i32
        %get3A_517 = arith.index_cast %add3A_516 : i32 to index
        %get3A_518 = tpu.vector_load %arg5[%get3A_517] {strides = array<i32>} : memref<10240xi32, #tpu.memory_space<vmem>>, vector<16xi32>,
        %get3A_519 = vector.shape_cast %get3A_518 : vector<16xi32> to vector<16xi32>
        %and3A_520 = arith.constant 65535 : i32
        %and3A_521 = vector.broadcast %and3A_520 : i32 to vector<16xi32>
        %and3A_522 = arith.andi %get3A_519, %and3A_521 : vector<16xi32>
        %swap3A_523 = arith.constant 32 : index
        %swap3A_524 = tpu.vector_load %arg6[%swap3A_523] {strides = array<i32>} : memref<128xi32, #tpu.memory_space<vmem>>, vector<16xi32>,
        %swap3A_525 = vector.shape_cast %swap3A_524 : vector<16xi32> to vector<16xi32>
        %swap3A_526 = vector.shape_cast %and3A_522 : vector<16xi32> to vector<16xi32>
        tpu.vector_store %arg6[%swap3A_523], %swap3A_526 {strides = array<i32>} : memref<128xi32, #tpu.memory_space<vmem>>, vector<16xi32>,
        %mul3A_527 = arith.constant 128 : i32
        %mul3A_528 = arith.muli %add3A_484, %mul3A_527 : i32
        %add3A_529 = arith.constant 48 : i32
        %add3A_530 = arith.addi %mul3A_528, %add3A_529 : i32
        %get3A_531 = arith.index_cast %add3A_530 : i32 to index
        %get3A_532 = tpu.vector_load %arg5[%get3A_531] {strides = array<i32>} : memref<10240xi32, #tpu.memory_space<vmem>>, vector<16xi32>,
        %get3A_533 = vector.shape_cast %get3A_532 : vector<16xi32> to vector<16xi32>
        %and3A_534 = arith.constant 65535 : i32
        %and3A_535 = vector.broadcast %and3A_534 : i32 to vector<16xi32>
        %and3A_536 = arith.andi %get3A_533, %and3A_535 : vector<16xi32>
        %swap3A_537 = arith.constant 48 : index
        %swap3A_538 = tpu.vector_load %arg6[%swap3A_537] {strides = array<i32>} : memref<128xi32, #tpu.memory_space<vmem>>, vector<16xi32>,
        %swap3A_539 = vector.shape_cast %swap3A_538 : vector<16xi32> to vector<16xi32>
        %swap3A_540 = vector.shape_cast %and3A_536 : vector<16xi32> to vector<16xi32>
        tpu.vector_store %arg6[%swap3A_537], %swap3A_540 {strides = array<i32>} : memref<128xi32, #tpu.memory_space<vmem>>, vector<16xi32>,
        %mul3A_541 = arith.constant 128 : i32
        %mul3A_542 = arith.muli %add3A_484, %mul3A_541 : i32
        %add3A_543 = arith.constant 64 : i32
        %add3A_544 = arith.addi %mul3A_542, %add3A_543 : i32
        %get3A_545 = arith.index_cast %add3A_544 : i32 to index
        %get3A_546 = tpu.vector_load %arg5[%get3A_545] {strides = array<i32>} : memref<10240xi32, #tpu.memory_space<vmem>>, vector<16xi32>,
        %get3A_547 = vector.shape_cast %get3A_546 : vector<16xi32> to vector<16xi32>
        %and3A_548 = arith.constant 65535 : i32
        %and3A_549 = vector.broadcast %and3A_548 : i32 to vector<16xi32>
        %and3A_550 = arith.andi %get3A_547, %and3A_549 : vector<16xi32>
        %swap3A_551 = arith.constant 64 : index
        %swap3A_552 = tpu.vector_load %arg6[%swap3A_551] {strides = array<i32>} : memref<128xi32, #tpu.memory_space<vmem>>, vector<16xi32>,
        %swap3A_553 = vector.shape_cast %swap3A_552 : vector<16xi32> to vector<16xi32>
        %swap3A_554 = vector.shape_cast %and3A_550 : vector<16xi32> to vector<16xi32>
        tpu.vector_store %arg6[%swap3A_551], %swap3A_554 {strides = array<i32>} : memref<128xi32, #tpu.memory_space<vmem>>, vector<16xi32>,
        %mul3A_555 = arith.constant 128 : i32
        %mul3A_556 = arith.muli %add3A_484, %mul3A_555 : i32
        %add3A_557 = arith.constant 80 : i32
        %add3A_558 = arith.addi %mul3A_556, %add3A_557 : i32
        %get3A_559 = arith.index_cast %add3A_558 : i32 to index
        %get3A_560 = tpu.vector_load %arg5[%get3A_559] {strides = array<i32>} : memref<10240xi32, #tpu.memory_space<vmem>>, vector<16xi32>,
        %get3A_561 = vector.shape_cast %get3A_560 : vector<16xi32> to vector<16xi32>
        %and3A_562 = arith.constant 65535 : i32
        %and3A_563 = vector.broadcast %and3A_562 : i32 to vector<16xi32>
        %and3A_564 = arith.andi %get3A_561, %and3A_563 : vector<16xi32>
        %swap3A_565 = arith.constant 80 : index
        %swap3A_566 = tpu.vector_load %arg6[%swap3A_565] {strides = array<i32>} : memref<128xi32, #tpu.memory_space<vmem>>, vector<16xi32>,
        %swap3A_567 = vector.shape_cast %swap3A_566 : vector<16xi32> to vector<16xi32>
        %swap3A_568 = vector.shape_cast %and3A_564 : vector<16xi32> to vector<16xi32>
        tpu.vector_store %arg6[%swap3A_565], %swap3A_568 {strides = array<i32>} : memref<128xi32, #tpu.memory_space<vmem>>, vector<16xi32>,
        %mul3A_569 = arith.constant 128 : i32
        %mul3A_570 = arith.muli %add3A_484, %mul3A_569 : i32
        %add3A_571 = arith.constant 96 : i32
        %add3A_572 = arith.addi %mul3A_570, %add3A_571 : i32
        %get3A_573 = arith.index_cast %add3A_572 : i32 to index
        %get3A_574 = tpu.vector_load %arg5[%get3A_573] {strides = array<i32>} : memref<10240xi32, #tpu.memory_space<vmem>>, vector<16xi32>,
        %get3A_575 = vector.shape_cast %get3A_574 : vector<16xi32> to vector<16xi32>
        %and3A_576 = arith.constant 65535 : i32
        %and3A_577 = vector.broadcast %and3A_576 : i32 to vector<16xi32>
        %and3A_578 = arith.andi %get3A_575, %and3A_577 : vector<16xi32>
        %swap3A_579 = arith.constant 96 : index
        %swap3A_580 = tpu.vector_load %arg6[%swap3A_579] {strides = array<i32>} : memref<128xi32, #tpu.memory_space<vmem>>, vector<16xi32>,
        %swap3A_581 = vector.shape_cast %swap3A_580 : vector<16xi32> to vector<16xi32>
        %swap3A_582 = vector.shape_cast %and3A_578 : vector<16xi32> to vector<16xi32>
        tpu.vector_store %arg6[%swap3A_579], %swap3A_582 {strides = array<i32>} : memref<128xi32, #tpu.memory_space<vmem>>, vector<16xi32>,
        %mul3A_583 = arith.constant 128 : i32
        %mul3A_584 = arith.muli %add3A_484, %mul3A_583 : i32
        %add3A_585 = arith.constant 112 : i32
        %add3A_586 = arith.addi %mul3A_584, %add3A_585 : i32
        %get3A_587 = arith.index_cast %add3A_586 : i32 to index
        %get3A_588 = tpu.vector_load %arg5[%get3A_587] {strides = array<i32>} : memref<10240xi32, #tpu.memory_space<vmem>>, vector<16xi32>,
        %get3A_589 = vector.shape_cast %get3A_588 : vector<16xi32> to vector<16xi32>
        %and3A_590 = arith.constant 65535 : i32
        %and3A_591 = vector.broadcast %and3A_590 : i32 to vector<16xi32>
        %and3A_592 = arith.andi %get3A_589, %and3A_591 : vector<16xi32>
        %swap3A_593 = arith.constant 112 : index
        %swap3A_594 = tpu.vector_load %arg6[%swap3A_593] {strides = array<i32>} : memref<128xi32, #tpu.memory_space<vmem>>, vector<16xi32>,
        %swap3A_595 = vector.shape_cast %swap3A_594 : vector<16xi32> to vector<16xi32>
        %swap3A_596 = vector.shape_cast %and3A_592 : vector<16xi32> to vector<16xi32>
        tpu.vector_store %arg6[%swap3A_593], %swap3A_596 {strides = array<i32>} : memref<128xi32, #tpu.memory_space<vmem>>, vector<16xi32>,
        %dma_start3A_597 = arith.constant 0 : i32
        %dma_start3A_598 = arith.constant 0 : i32
        %dma_start3A_599 = tpu.memref_slice %arg2[%dma_start3A_597, %dma_start3A_598] : memref<10000x128xf32, #tpu.memory_space<hbm>> -> memref<10000x128xf32, #tpu.memory_space<hbm>>
        tpu.enqueue_indirect_dma source(%dma_start3A_599 : memref<10000x128xf32, #tpu.memory_space<hbm>>) target(%arg11 : memref<128x128xf32, #tpu.memory_space<vmem>>) offsets(%arg6 : memref<128xi32, #tpu.memory_space<vmem>>) semaphore(%arg14 : memref<!tpu.dma_semaphore, #tpu.memory_space<semaphore_mem>>)
      } else {
      }
      %dma_wait3A_366 = arith.constant 0 : i32
      %dma_wait3A_367 = arith.constant 0 : i32
      %dma_wait3A_368 = tpu.memref_slice %arg2[%dma_wait3A_366, %dma_wait3A_367] : memref<10000x128xf32, #tpu.memory_space<hbm>> -> memref<10000x128xf32, #tpu.memory_space<hbm>>
      tpu.wait_indirect_dma semaphore(%arg15 : memref<!tpu.dma_semaphore, #tpu.memory_space<semaphore_mem>>) src(%dma_wait3A_368 : memref<10000x128xf32, #tpu.memory_space<hbm>>) dst(%arg12 : memref<128x128xf32, #tpu.memory_space<vmem>>)
      %add3A_369 = arith.constant 1 : i32
      %add3A_370 = arith.addi %mul3A_131, %add3A_369 : i32
      %mul3A_371 = arith.constant 128 : i32
      %mul3A_372 = arith.muli %add3A_370, %mul3A_371 : i32
      %add3A_373 = arith.constant 0 : i32
      %add3A_374 = arith.addi %mul3A_372, %add3A_373 : i32
      %get3A_375 = arith.index_cast %add3A_374 : i32 to index
      %get3A_376 = tpu.vector_load %arg5[%get3A_375] {strides = array<i32>} : memref<10240xi32, #tpu.memory_space<vmem>>, vector<16xi32>,
      %get3A_377 = vector.shape_cast %get3A_376 : vector<16xi32> to vector<16xi32>
      %shift_right_logical3A_378 = arith.constant 16 : i32
      %shift_right_logical3A_379 = vector.broadcast %shift_right_logical3A_378 : i32 to vector<16xi32>
      %shift_right_logical3A_380 = arith.shrui %get3A_377, %shift_right_logical3A_379 : vector<16xi32>
      %swap3A_381 = arith.constant 0 : index
      %swap3A_382 = tpu.vector_load %arg8[%swap3A_381] {strides = array<i32>} : memref<128xi32, #tpu.memory_space<vmem>>, vector<16xi32>,
      %swap3A_383 = vector.shape_cast %swap3A_382 : vector<16xi32> to vector<16xi32>
      %swap3A_384 = vector.shape_cast %shift_right_logical3A_380 : vector<16xi32> to vector<16xi32>
      tpu.vector_store %arg8[%swap3A_381], %swap3A_384 {strides = array<i32>} : memref<128xi32, #tpu.memory_space<vmem>>, vector<16xi32>,
      %mul3A_385 = arith.constant 128 : i32
      %mul3A_386 = arith.muli %add3A_370, %mul3A_385 : i32
      %add3A_387 = arith.constant 16 : i32
      %add3A_388 = arith.addi %mul3A_386, %add3A_387 : i32
      %get3A_389 = arith.index_cast %add3A_388 : i32 to index
      %get3A_390 = tpu.vector_load %arg5[%get3A_389] {strides = array<i32>} : memref<10240xi32, #tpu.memory_space<vmem>>, vector<16xi32>,
      %get3A_391 = vector.shape_cast %get3A_390 : vector<16xi32> to vector<16xi32>
      %shift_right_logical3A_392 = arith.constant 16 : i32
      %shift_right_logical3A_393 = vector.broadcast %shift_right_logical3A_392 : i32 to vector<16xi32>
      %shift_right_logical3A_394 = arith.shrui %get3A_391, %shift_right_logical3A_393 : vector<16xi32>
      %swap3A_395 = arith.constant 16 : index
      %swap3A_396 = tpu.vector_load %arg8[%swap3A_395] {strides = array<i32>} : memref<128xi32, #tpu.memory_space<vmem>>, vector<16xi32>,
      %swap3A_397 = vector.shape_cast %swap3A_396 : vector<16xi32> to vector<16xi32>
      %swap3A_398 = vector.shape_cast %shift_right_logical3A_394 : vector<16xi32> to vector<16xi32>
      tpu.vector_store %arg8[%swap3A_395], %swap3A_398 {strides = array<i32>} : memref<128xi32, #tpu.memory_space<vmem>>, vector<16xi32>,
      %mul3A_399 = arith.constant 128 : i32
      %mul3A_400 = arith.muli %add3A_370, %mul3A_399 : i32
      %add3A_401 = arith.constant 32 : i32
      %add3A_402 = arith.addi %mul3A_400, %add3A_401 : i32
      %get3A_403 = arith.index_cast %add3A_402 : i32 to index
      %get3A_404 = tpu.vector_load %arg5[%get3A_403] {strides = array<i32>} : memref<10240xi32, #tpu.memory_space<vmem>>, vector<16xi32>,
      %get3A_405 = vector.shape_cast %get3A_404 : vector<16xi32> to vector<16xi32>
      %shift_right_logical3A_406 = arith.constant 16 : i32
      %shift_right_logical3A_407 = vector.broadcast %shift_right_logical3A_406 : i32 to vector<16xi32>
      %shift_right_logical3A_408 = arith.shrui %get3A_405, %shift_right_logical3A_407 : vector<16xi32>
      %swap3A_409 = arith.constant 32 : index
      %swap3A_410 = tpu.vector_load %arg8[%swap3A_409] {strides = array<i32>} : memref<128xi32, #tpu.memory_space<vmem>>, vector<16xi32>,
      %swap3A_411 = vector.shape_cast %swap3A_410 : vector<16xi32> to vector<16xi32>
      %swap3A_412 = vector.shape_cast %shift_right_logical3A_408 : vector<16xi32> to vector<16xi32>
      tpu.vector_store %arg8[%swap3A_409], %swap3A_412 {strides = array<i32>} : memref<128xi32, #tpu.memory_space<vmem>>, vector<16xi32>,
      %mul3A_413 = arith.constant 128 : i32
      %mul3A_414 = arith.muli %add3A_370, %mul3A_413 : i32
      %add3A_415 = arith.constant 48 : i32
      %add3A_416 = arith.addi %mul3A_414, %add3A_415 : i32
      %get3A_417 = arith.index_cast %add3A_416 : i32 to index
      %get3A_418 = tpu.vector_load %arg5[%get3A_417] {strides = array<i32>} : memref<10240xi32, #tpu.memory_space<vmem>>, vector<16xi32>,
      %get3A_419 = vector.shape_cast %get3A_418 : vector<16xi32> to vector<16xi32>
      %shift_right_logical3A_420 = arith.constant 16 : i32
      %shift_right_logical3A_421 = vector.broadcast %shift_right_logical3A_420 : i32 to vector<16xi32>
      %shift_right_logical3A_422 = arith.shrui %get3A_419, %shift_right_logical3A_421 : vector<16xi32>
      %swap3A_423 = arith.constant 48 : index
      %swap3A_424 = tpu.vector_load %arg8[%swap3A_423] {strides = array<i32>} : memref<128xi32, #tpu.memory_space<vmem>>, vector<16xi32>,
      %swap3A_425 = vector.shape_cast %swap3A_424 : vector<16xi32> to vector<16xi32>
      %swap3A_426 = vector.shape_cast %shift_right_logical3A_422 : vector<16xi32> to vector<16xi32>
      tpu.vector_store %arg8[%swap3A_423], %swap3A_426 {strides = array<i32>} : memref<128xi32, #tpu.memory_space<vmem>>, vector<16xi32>,
      %mul3A_427 = arith.constant 128 : i32
      %mul3A_428 = arith.muli %add3A_370, %mul3A_427 : i32
      %add3A_429 = arith.constant 64 : i32
      %add3A_430 = arith.addi %mul3A_428, %add3A_429 : i32
      %get3A_431 = arith.index_cast %add3A_430 : i32 to index
      %get3A_432 = tpu.vector_load %arg5[%get3A_431] {strides = array<i32>} : memref<10240xi32, #tpu.memory_space<vmem>>, vector<16xi32>,
      %get3A_433 = vector.shape_cast %get3A_432 : vector<16xi32> to vector<16xi32>
      %shift_right_logical3A_434 = arith.constant 16 : i32
      %shift_right_logical3A_435 = vector.broadcast %shift_right_logical3A_434 : i32 to vector<16xi32>
      %shift_right_logical3A_436 = arith.shrui %get3A_433, %shift_right_logical3A_435 : vector<16xi32>
      %swap3A_437 = arith.constant 64 : index
      %swap3A_438 = tpu.vector_load %arg8[%swap3A_437] {strides = array<i32>} : memref<128xi32, #tpu.memory_space<vmem>>, vector<16xi32>,
      %swap3A_439 = vector.shape_cast %swap3A_438 : vector<16xi32> to vector<16xi32>
      %swap3A_440 = vector.shape_cast %shift_right_logical3A_436 : vector<16xi32> to vector<16xi32>
      tpu.vector_store %arg8[%swap3A_437], %swap3A_440 {strides = array<i32>} : memref<128xi32, #tpu.memory_space<vmem>>, vector<16xi32>,
      %mul3A_441 = arith.constant 128 : i32
      %mul3A_442 = arith.muli %add3A_370, %mul3A_441 : i32
      %add3A_443 = arith.constant 80 : i32
      %add3A_444 = arith.addi %mul3A_442, %add3A_443 : i32
      %get3A_445 = arith.index_cast %add3A_444 : i32 to index
      %get3A_446 = tpu.vector_load %arg5[%get3A_445] {strides = array<i32>} : memref<10240xi32, #tpu.memory_space<vmem>>, vector<16xi32>,
      %get3A_447 = vector.shape_cast %get3A_446 : vector<16xi32> to vector<16xi32>
      %shift_right_logical3A_448 = arith.constant 16 : i32
      %shift_right_logical3A_449 = vector.broadcast %shift_right_logical3A_448 : i32 to vector<16xi32>
      %shift_right_logical3A_450 = arith.shrui %get3A_447, %shift_right_logical3A_449 : vector<16xi32>
      %swap3A_451 = arith.constant 80 : index
      %swap3A_452 = tpu.vector_load %arg8[%swap3A_451] {strides = array<i32>} : memref<128xi32, #tpu.memory_space<vmem>>, vector<16xi32>,
      %swap3A_453 = vector.shape_cast %swap3A_452 : vector<16xi32> to vector<16xi32>
      %swap3A_454 = vector.shape_cast %shift_right_logical3A_450 : vector<16xi32> to vector<16xi32>
      tpu.vector_store %arg8[%swap3A_451], %swap3A_454 {strides = array<i32>} : memref<128xi32, #tpu.memory_space<vmem>>, vector<16xi32>,
      %mul3A_455 = arith.constant 128 : i32
      %mul3A_456 = arith.muli %add3A_370, %mul3A_455 : i32
      %add3A_457 = arith.constant 96 : i32
      %add3A_458 = arith.addi %mul3A_456, %add3A_457 : i32
      %get3A_459 = arith.index_cast %add3A_458 : i32 to index
      %get3A_460 = tpu.vector_load %arg5[%get3A_459] {strides = array<i32>} : memref<10240xi32, #tpu.memory_space<vmem>>, vector<16xi32>,
      %get3A_461 = vector.shape_cast %get3A_460 : vector<16xi32> to vector<16xi32>
      %shift_right_logical3A_462 = arith.constant 16 : i32
      %shift_right_logical3A_463 = vector.broadcast %shift_right_logical3A_462 : i32 to vector<16xi32>
      %shift_right_logical3A_464 = arith.shrui %get3A_461, %shift_right_logical3A_463 : vector<16xi32>
      %swap3A_465 = arith.constant 96 : index
      %swap3A_466 = tpu.vector_load %arg8[%swap3A_465] {strides = array<i32>} : memref<128xi32, #tpu.memory_space<vmem>>, vector<16xi32>,
      %swap3A_467 = vector.shape_cast %swap3A_466 : vector<16xi32> to vector<16xi32>
      %swap3A_468 = vector.shape_cast %shift_right_logical3A_464 : vector<16xi32> to vector<16xi32>
      tpu.vector_store %arg8[%swap3A_465], %swap3A_468 {strides = array<i32>} : memref<128xi32, #tpu.memory_space<vmem>>, vector<16xi32>,
      %mul3A_469 = arith.constant 128 : i32
      %mul3A_470 = arith.muli %add3A_370, %mul3A_469 : i32
      %add3A_471 = arith.constant 112 : i32
      %add3A_472 = arith.addi %mul3A_470, %add3A_471 : i32
      %get3A_473 = arith.index_cast %add3A_472 : i32 to index
      %get3A_474 = tpu.vector_load %arg5[%get3A_473] {strides = array<i32>} : memref<10240xi32, #tpu.memory_space<vmem>>, vector<16xi32>,
      %get3A_475 = vector.shape_cast %get3A_474 : vector<16xi32> to vector<16xi32>
      %shift_right_logical3A_476 = arith.constant 16 : i32
      %shift_right_logical3A_477 = vector.broadcast %shift_right_logical3A_476 : i32 to vector<16xi32>
      %shift_right_logical3A_478 = arith.shrui %get3A_475, %shift_right_logical3A_477 : vector<16xi32>
      %swap3A_479 = arith.constant 112 : index
      %swap3A_480 = tpu.vector_load %arg8[%swap3A_479] {strides = array<i32>} : memref<128xi32, #tpu.memory_space<vmem>>, vector<16xi32>,
      %swap3A_481 = vector.shape_cast %swap3A_480 : vector<16xi32> to vector<16xi32>
      %swap3A_482 = vector.shape_cast %shift_right_logical3A_478 : vector<16xi32> to vector<16xi32>
      tpu.vector_store %arg8[%swap3A_479], %swap3A_482 {strides = array<i32>} : memref<128xi32, #tpu.memory_space<vmem>>, vector<16xi32>,
      "tpu.region"() ({
        %run_scoped3A = tpu.sem_alloc : memref<!tpu.dma_semaphore, #tpu.memory_space<semaphore_mem>>
        %dma_start3A_483 = arith.constant 0 : i32
        %dma_start3A_484 = arith.constant 0 : i32
        %dma_start3A_485 = tpu.memref_slice %arg13[%dma_start3A_483, %dma_start3A_484] : memref<10000x128xf32, #tpu.memory_space<vmem_shared>> -> memref<10000x128xf32, #tpu.memory_space<vmem_shared>>
        tpu.enqueue_indirect_dma source(%arg12 : memref<128x128xf32, #tpu.memory_space<vmem>>) target(%dma_start3A_485 : memref<10000x128xf32, #tpu.memory_space<vmem_shared>>) offsets(%arg8 : memref<128xi32, #tpu.memory_space<vmem>>) semaphore(%run_scoped3A : memref<!tpu.dma_semaphore, #tpu.memory_space<semaphore_mem>>) {add = true}
        %dma_wait3A_486 = arith.constant 0 : i32
        %dma_wait3A_487 = arith.constant 0 : i32
        %dma_wait3A_488 = tpu.memref_slice %arg13[%dma_wait3A_486, %dma_wait3A_487] : memref<10000x128xf32, #tpu.memory_space<vmem_shared>> -> memref<10000x128xf32, #tpu.memory_space<vmem_shared>>
        tpu.wait_indirect_dma semaphore(%run_scoped3A : memref<!tpu.dma_semaphore, #tpu.memory_space<semaphore_mem>>) src(%arg12 : memref<128x128xf32, #tpu.memory_space<vmem>>) dst(%dma_wait3A_488 : memref<10000x128xf32, #tpu.memory_space<vmem_shared>>)
        tpu.yield
      }) : () -> ()
    }
    %scan3A_98 = arith.constant 39 : i32
    %get3A_99 = arith.constant 9984 : index
    %get3A_100 = tpu.vector_load %arg5[%get3A_99] {strides = array<i32>} : memref<10240xi32, #tpu.memory_space<vmem>>, vector<16xi32>,
    %get3A_101 = vector.shape_cast %get3A_100 : vector<16xi32> to vector<16xi32>
    %and3A_102 = arith.constant 65535 : i32
    %and3A_103 = vector.broadcast %and3A_102 : i32 to vector<16xi32>
    %and3A_104 = arith.andi %get3A_101, %and3A_103 : vector<16xi32>
    %swap3A_105 = arith.constant 0 : index
    %swap3A_106 = tpu.vector_load %arg9[%swap3A_105] {strides = array<i32>} : memref<16xi32, #tpu.memory_space<vmem>>, vector<16xi32>,
    %swap3A_107 = vector.shape_cast %swap3A_106 : vector<16xi32> to vector<16xi32>
    %swap3A_108 = vector.shape_cast %and3A_104 : vector<16xi32> to vector<16xi32>
    tpu.vector_store %arg9[%swap3A_105], %swap3A_108 {strides = array<i32>} : memref<16xi32, #tpu.memory_space<vmem>>, vector<16xi32>,
    %shift_right_logical3A = arith.constant 16 : i32
    %shift_right_logical3A_109 = vector.broadcast %shift_right_logical3A : i32 to vector<16xi32>
    %shift_right_logical3A_110 = arith.shrui %get3A_101, %shift_right_logical3A_109 : vector<16xi32>
    %swap3A_111 = arith.constant 0 : index
    %swap3A_112 = tpu.vector_load %arg10[%swap3A_111] {strides = array<i32>} : memref<16xi32, #tpu.memory_space<vmem>>, vector<16xi32>,
    %swap3A_113 = vector.shape_cast %swap3A_112 : vector<16xi32> to vector<16xi32>
    %swap3A_114 = vector.shape_cast %shift_right_logical3A_110 : vector<16xi32> to vector<16xi32>
    tpu.vector_store %arg10[%swap3A_111], %swap3A_114 {strides = array<i32>} : memref<16xi32, #tpu.memory_space<vmem>>, vector<16xi32>,
    %dma_start3A_115 = arith.constant 0 : i32
    %dma_start3A_116 = arith.constant 0 : i32
    %dma_start3A_117 = tpu.memref_slice %arg11[%dma_start3A_115, %dma_start3A_116] : memref<128x128xf32, #tpu.memory_space<vmem>> -> memref<16x128xf32, #tpu.memory_space<vmem>>
    %dma_start3A_118 = arith.constant 0 : i32
    %dma_start3A_119 = arith.constant 0 : i32
    %dma_start3A_120 = tpu.memref_slice %arg2[%dma_start3A_118, %dma_start3A_119] : memref<10000x128xf32, #tpu.memory_space<hbm>> -> memref<10000x128xf32, #tpu.memory_space<hbm>>
    tpu.enqueue_indirect_dma source(%dma_start3A_120 : memref<10000x128xf32, #tpu.memory_space<hbm>>) target(%dma_start3A_117 : memref<16x128xf32, #tpu.memory_space<vmem>>) offsets(%arg9 : memref<16xi32, #tpu.memory_space<vmem>>) semaphore(%arg14 : memref<!tpu.dma_semaphore, #tpu.memory_space<semaphore_mem>>)
    %dma_wait3A = arith.constant 0 : i32
    %dma_wait3A_121 = arith.constant 0 : i32
    %dma_wait3A_122 = tpu.memref_slice %arg11[%dma_wait3A, %dma_wait3A_121] : memref<128x128xf32, #tpu.memory_space<vmem>> -> memref<16x128xf32, #tpu.memory_space<vmem>>
    %dma_wait3A_123 = arith.constant 0 : i32
    %dma_wait3A_124 = arith.constant 0 : i32
    %dma_wait3A_125 = tpu.memref_slice %arg2[%dma_wait3A_123, %dma_wait3A_124] : memref<10000x128xf32, #tpu.memory_space<hbm>> -> memref<10000x128xf32, #tpu.memory_space<hbm>>
    tpu.wait_indirect_dma semaphore(%arg14 : memref<!tpu.dma_semaphore, #tpu.memory_space<semaphore_mem>>) src(%dma_wait3A_125 : memref<10000x128xf32, #tpu.memory_space<hbm>>) dst(%dma_wait3A_122 : memref<16x128xf32, #tpu.memory_space<vmem>>)
    "tpu.region"() ({
      %run_scoped3A = tpu.sem_alloc : memref<!tpu.dma_semaphore, #tpu.memory_space<semaphore_mem>>
      %dma_start3A_129 = arith.constant 0 : i32
      %dma_start3A_130 = arith.constant 0 : i32
      %dma_start3A_131 = tpu.memref_slice %arg11[%dma_start3A_129, %dma_start3A_130] : memref<128x128xf32, #tpu.memory_space<vmem>> -> memref<16x128xf32, #tpu.memory_space<vmem>>
      %dma_start3A_132 = arith.constant 0 : i32
      %dma_start3A_133 = arith.constant 0 : i32
      %dma_start3A_134 = tpu.memref_slice %arg13[%dma_start3A_132, %dma_start3A_133] : memref<10000x128xf32, #tpu.memory_space<vmem_shared>> -> memref<10000x128xf32, #tpu.memory_space<vmem_shared>>
      tpu.enqueue_indirect_dma source(%dma_start3A_131 : memref<16x128xf32, #tpu.memory_space<vmem>>) target(%dma_start3A_134 : memref<10000x128xf32, #tpu.memory_space<vmem_shared>>) offsets(%arg10 : memref<16xi32, #tpu.memory_space<vmem>>) semaphore(%run_scoped3A : memref<!tpu.dma_semaphore, #tpu.memory_space<semaphore_mem>>) {add = true}
      %dma_wait3A_135 = arith.constant 0 : i32
      %dma_wait3A_136 = arith.constant 0 : i32
      %dma_wait3A_137 = tpu.memref_slice %arg11[%dma_wait3A_135, %dma_wait3A_136] : memref<128x128xf32, #tpu.memory_space<vmem>> -> memref<16x128xf32, #tpu.memory_space<vmem>>
      %dma_wait3A_138 = arith.constant 0 : i32
      %dma_wait3A_139 = arith.constant 0 : i32
      %dma_wait3A_140 = tpu.memref_slice %arg13[%dma_wait3A_138, %dma_wait3A_139] : memref<10000x128xf32, #tpu.memory_space<vmem_shared>> -> memref<10000x128xf32, #tpu.memory_space<vmem_shared>>
      tpu.wait_indirect_dma semaphore(%run_scoped3A : memref<!tpu.dma_semaphore, #tpu.memory_space<semaphore_mem>>) src(%dma_wait3A_137 : memref<16x128xf32, #tpu.memory_space<vmem>>) dst(%dma_wait3A_140 : memref<10000x128xf32, #tpu.memory_space<vmem_shared>>)
      tpu.yield
    }) : () -> ()
    %barrier3A_126 = arith.constant 0 : index
    tpu.barrier barrier_id(%barrier3A_126)
    %mul3A_127 = arith.constant 625 : i32
    %mul3A_128 = arith.muli %arg1, %mul3A_127 : i32
    "tpu.region"() ({
      %run_scoped3A = tpu.sem_alloc : memref<!tpu.dma_semaphore, #tpu.memory_space<semaphore_mem>>
      %dma_start3A_129 = arith.constant 0 : i32
      %dma_start3A_130 = arith.constant 0 : i32
      %dma_start3A_131 = tpu.memref_slice %arg4[%arg0, %arg1, %dma_start3A_129, %dma_start3A_130] : memref<2x16x625x128xf32, #tpu.memory_space<hbm>> -> memref<1x1x625x128xf32, #tpu.memory_space<hbm>>
      %dma_start3A_132 = tpu.memref_squeeze %dma_start3A_131 : memref<1x1x625x128xf32, #tpu.memory_space<hbm>> -> memref<625x128xf32, #tpu.memory_space<hbm>>
      %dma_start3A_133 = arith.constant 0 : i32
      %dma_start3A_134 = tpu.memref_slice %arg13[%mul3A_128, %dma_start3A_133] : memref<10000x128xf32, #tpu.memory_space<vmem_shared>> -> memref<625x128xf32, #tpu.memory_space<vmem_shared>>
      tpu.enqueue_dma source(%dma_start3A_134 : memref<625x128xf32, #tpu.memory_space<vmem_shared>>) target(%dma_start3A_132 : memref<625x128xf32, #tpu.memory_space<hbm>>) target_semaphore(%run_scoped3A : memref<!tpu.dma_semaphore, #tpu.memory_space<semaphore_mem>>)
      %dma_wait3A_135 = arith.constant 0 : i32
      %dma_wait3A_136 = arith.constant 0 : i32
      %dma_wait3A_137 = tpu.memref_slice %arg4[%arg0, %arg1, %dma_wait3A_135, %dma_wait3A_136] : memref<2x16x625x128xf32, #tpu.memory_space<hbm>> -> memref<1x1x625x128xf32, #tpu.memory_space<hbm>>
      %dma_wait3A_138 = tpu.memref_squeeze %dma_wait3A_137 : memref<1x1x625x128xf32, #tpu.memory_space<hbm>> -> memref<625x128xf32, #tpu.memory_space<hbm>>
      %dma_wait3A_139 = arith.constant 0 : i32
      %dma_wait3A_140 = tpu.memref_slice %arg13[%mul3A_128, %dma_wait3A_139] : memref<10000x128xf32, #tpu.memory_space<vmem_shared>> -> memref<625x128xf32, #tpu.memory_space<vmem_shared>>
      tpu.wait_dma2 semaphore(%run_scoped3A : memref<!tpu.dma_semaphore, #tpu.memory_space<semaphore_mem>>) src(%dma_wait3A_140 : memref<625x128xf32, #tpu.memory_space<vmem_shared>>) dst(%dma_wait3A_138 : memref<625x128xf32, #tpu.memory_space<hbm>>)
      tpu.yield
    }) : () -> ()
    return
  }
}

module attributes {stable_mosaic.version = 14 : i64} {
  func.func @_enc_body(%arg0: i32, %arg1: memref<2x1000x1xf32, #tpu.memory_space<vmem>>, %arg2: memref<1000x128xf32, #tpu.memory_space<vmem>>, %arg3: memref<128x128xf32, #tpu.memory_space<vmem>>, %arg4: memref<1000x128xf32, #tpu.memory_space<vmem>>, %arg5: memref<1000x1xf32, #tpu.memory_space<vmem>>) attributes {dimension_semantics = [#tpu.dimension_semantics<arbitrary>], iteration_bounds = array<i64: 10>, scalar_prefetch = 0 : i64, scratch_operands = 0 : i64, tpu.core_type = #tpu.core_type<tc>, window_params = [{transform_indices = @transform_0, window_bounds = array<i64: 2, 1000, 1>}, {transform_indices = @transform_1, window_bounds = array<i64: 1000, 128>}, {pipeline_mode = #tpu.pipeline_mode<synchronous>, transform_indices = @transform_2, window_bounds = array<i64: 128, 128>}, {transform_indices = @transform_3, window_bounds = array<i64: 1000, 128>}, {transform_indices = @transform_4, window_bounds = array<i64: 1000, 1>}]} {
    %get3A = arith.constant 0 : index
    %get3A_0 = arith.constant 0 : index
    %get3A_1 = arith.constant 0 : index
    %get3A_2 = vector.load %arg1[%get3A, %get3A_0, %get3A_1] : memref<2x1000x1xf32, #tpu.memory_space<vmem>>, vector<1x1000x1xf32>
    %get3A_3 = vector.shape_cast %get3A_2 : vector<1x1000x1xf32> to vector<1000xf32>
    %get3A_4 = arith.constant 1 : index
    %get3A_5 = arith.constant 0 : index
    %get3A_6 = arith.constant 0 : index
    %get3A_7 = vector.load %arg1[%get3A_4, %get3A_5, %get3A_6] : memref<2x1000x1xf32, #tpu.memory_space<vmem>>, vector<1x1000x1xf32>
    %get3A_8 = vector.shape_cast %get3A_7 : vector<1x1000x1xf32> to vector<1000xf32>
    %add3A = arith.addf %get3A_3, %get3A_8 : vector<1000xf32>
    %add3A_9 = arith.constant 1.000000e+00 : f32
    %add3A_10 = vector.broadcast %add3A_9 : f32 to vector<1000xf32>
    %add3A_11 = arith.addf %add3A, %add3A_10 : vector<1000xf32>
    %rsqrt3A = math.rsqrt %add3A_11 : vector<1000xf32>
    %get3A_12 = arith.constant 0 : index
    %get3A_13 = arith.constant 0 : index
    %get3A_14 = vector.load %arg2[%get3A_12, %get3A_13] : memref<1000x128xf32, #tpu.memory_space<vmem>>, vector<1000x128xf32>
    %broadcast_in_dim3A = vector.shape_cast %rsqrt3A : vector<1000xf32> to vector<1000x1xf32>
    %mul3A = vector.broadcast %broadcast_in_dim3A : vector<1000x1xf32> to vector<1000x128xf32>
    %mul3A_15 = arith.mulf %get3A_14, %mul3A : vector<1000x128xf32>
    %get3A_16 = arith.constant 0 : index
    %get3A_17 = arith.constant 0 : index
    %get3A_18 = vector.load %arg3[%get3A_16, %get3A_17] : memref<128x128xf32, #tpu.memory_space<vmem>>, vector<128x128xf32>
    %dot_general3A = arith.constant dense<0.000000e+00> : vector<1000x128xf32>
    %dot_general3A_19 = tpu.matmul %mul3A_15, %get3A_18, %dot_general3A {dimension_numbers = #tpu.dot_dimension_numbers<[1], [0], [0], [1], [0, 0, 1, 1], [], []>, transpose_lhs_hint = false} : vector<1000x128xf32>, vector<128x128xf32>, vector<1000x128xf32> -> vector<1000x128xf32>
    %swap3A = arith.constant 0 : index
    %swap3A_20 = arith.constant 0 : index
    %swap3A_21 = vector.load %arg4[%swap3A, %swap3A_20] : memref<1000x128xf32, #tpu.memory_space<vmem>>, vector<1000x128xf32>
    tpu.vector_store %arg4[%swap3A, %swap3A_20], %dot_general3A_19 {strides = array<i32>} : memref<1000x128xf32, #tpu.memory_space<vmem>>, vector<1000x128xf32>,
    %broadcast_in_dim3A_22 = vector.shape_cast %rsqrt3A : vector<1000xf32> to vector<1000x1xf32>
    %swap3A_23 = arith.constant 0 : index
    %swap3A_24 = arith.constant 0 : index
    %swap3A_25 = vector.load %arg5[%swap3A_23, %swap3A_24] : memref<1000x1xf32, #tpu.memory_space<vmem>>, vector<1000x1xf32>
    tpu.vector_store %arg5[%swap3A_23, %swap3A_24], %broadcast_in_dim3A_22 {strides = array<i32>} : memref<1000x1xf32, #tpu.memory_space<vmem>>, vector<1000x1xf32>,
    return
  }
  func.func @transform_0(%arg0: i32) -> (i32, i32, i32) {
    %c0_i32 = arith.constant 0 : i32
    %c0_i32_0 = arith.constant 0 : i32
    %c0_i32_1 = arith.constant 0 : i32
    return %c0_i32, %arg0, %c0_i32_0 : i32, i32, i32
  }
  func.func @transform_1(%arg0: i32) -> (i32, i32) {
    %c0_i32 = arith.constant 0 : i32
    %c0_i32_0 = arith.constant 0 : i32
    return %arg0, %c0_i32 : i32, i32
  }
  func.func @transform_2(%arg0: i32) -> (i32, i32) {
    %c0_i32 = arith.constant 0 : i32
    %c0_i32_0 = arith.constant 0 : i32
    %c0_i32_1 = arith.constant 0 : i32
    return %c0_i32, %c0_i32_0 : i32, i32
  }
  func.func @transform_3(%arg0: i32) -> (i32, i32) {
    %c0_i32 = arith.constant 0 : i32
    %c0_i32_0 = arith.constant 0 : i32
    return %arg0, %c0_i32 : i32, i32
  }
  func.func @transform_4(%arg0: i32) -> (i32, i32) {
    %c0_i32 = arith.constant 0 : i32
    %c0_i32_0 = arith.constant 0 : i32
    return %arg0, %c0_i32 : i32, i32
  }
}

module attributes {stable_mosaic.version = 14 : i64} {
  func.func @_dec_body(%arg0: i32, %arg1: memref<2x1000x128xf32, #tpu.memory_space<vmem>>, %arg2: memref<1000x128xf32, #tpu.memory_space<vmem>>, %arg3: memref<1000x1xf32, #tpu.memory_space<vmem>>, %arg4: memref<1x128xf32, #tpu.memory_space<vmem>>, %arg5: memref<128x70xf32, #tpu.memory_space<vmem>>, %arg6: memref<1x70xf32, #tpu.memory_space<vmem>>, %arg7: memref<1000x70xf32, #tpu.memory_space<vmem>>) attributes {dimension_semantics = [#tpu.dimension_semantics<arbitrary>], iteration_bounds = array<i64: 10>, scalar_prefetch = 0 : i64, scratch_operands = 0 : i64, tpu.core_type = #tpu.core_type<tc>, window_params = [{transform_indices = @transform_0, window_bounds = array<i64: 2, 1000, 128>}, {transform_indices = @transform_1, window_bounds = array<i64: 1000, 128>}, {transform_indices = @transform_2, window_bounds = array<i64: 1000, 1>}, {pipeline_mode = #tpu.pipeline_mode<synchronous>, transform_indices = @transform_3, window_bounds = array<i64: 1, 128>}, {pipeline_mode = #tpu.pipeline_mode<synchronous>, transform_indices = @transform_4, window_bounds = array<i64: 128, 70>}, {pipeline_mode = #tpu.pipeline_mode<synchronous>, transform_indices = @transform_5, window_bounds = array<i64: 1, 70>}, {transform_indices = @transform_6, window_bounds = array<i64: 1000, 70>}]} {
    %get3A = arith.constant 0 : index
    %get3A_0 = arith.constant 0 : index
    %get3A_1 = arith.constant 0 : index
    %get3A_2 = vector.load %arg1[%get3A, %get3A_0, %get3A_1] : memref<2x1000x128xf32, #tpu.memory_space<vmem>>, vector<1x1000x128xf32>
    %get3A_3 = vector.shape_cast %get3A_2 : vector<1x1000x128xf32> to vector<1000x128xf32>
    %get3A_4 = arith.constant 1 : index
    %get3A_5 = arith.constant 0 : index
    %get3A_6 = arith.constant 0 : index
    %get3A_7 = vector.load %arg1[%get3A_4, %get3A_5, %get3A_6] : memref<2x1000x128xf32, #tpu.memory_space<vmem>>, vector<1x1000x128xf32>
    %get3A_8 = vector.shape_cast %get3A_7 : vector<1x1000x128xf32> to vector<1000x128xf32>
    %add3A = arith.addf %get3A_3, %get3A_8 : vector<1000x128xf32>
    %get3A_9 = arith.constant 0 : index
    %get3A_10 = arith.constant 0 : index
    %get3A_11 = vector.load %arg2[%get3A_9, %get3A_10] : memref<1000x128xf32, #tpu.memory_space<vmem>>, vector<1000x128xf32>
    %add3A_12 = arith.addf %add3A, %get3A_11 : vector<1000x128xf32>
    %get3A_13 = arith.constant 0 : index
    %get3A_14 = arith.constant 0 : index
    %get3A_15 = vector.load %arg3[%get3A_13, %get3A_14] : memref<1000x1xf32, #tpu.memory_space<vmem>>, vector<1000x1xf32>
    %mul3A = vector.broadcast %get3A_15 : vector<1000x1xf32> to vector<1000x128xf32>
    %mul3A_16 = arith.mulf %add3A_12, %mul3A : vector<1000x128xf32>
    %get3A_17 = arith.constant 0 : index
    %get3A_18 = arith.constant 0 : index
    %get3A_19 = vector.load %arg4[%get3A_17, %get3A_18] : memref<1x128xf32, #tpu.memory_space<vmem>>, vector<1x128xf32>
    %add3A_20 = vector.broadcast %get3A_19 : vector<1x128xf32> to vector<1000x128xf32>
    %add3A_21 = arith.addf %mul3A_16, %add3A_20 : vector<1000x128xf32>
    %max3A = arith.constant 0.000000e+00 : f32
    %max3A_22 = vector.broadcast %max3A : f32 to vector<1000x128xf32>
    %max3A_23 = arith.maximumf %add3A_21, %max3A_22 : vector<1000x128xf32>
    %get3A_24 = arith.constant 0 : index
    %get3A_25 = arith.constant 0 : index
    %get3A_26 = vector.load %arg5[%get3A_24, %get3A_25] : memref<128x70xf32, #tpu.memory_space<vmem>>, vector<128x70xf32>
    %dot_general3A = arith.constant dense<0.000000e+00> : vector<1000x70xf32>
    %dot_general3A_27 = tpu.matmul %max3A_23, %get3A_26, %dot_general3A {dimension_numbers = #tpu.dot_dimension_numbers<[1], [0], [0], [1], [0, 0, 1, 1], [], []>, transpose_lhs_hint = false} : vector<1000x128xf32>, vector<128x70xf32>, vector<1000x70xf32> -> vector<1000x70xf32>
    %get3A_28 = arith.constant 0 : index
    %get3A_29 = arith.constant 0 : index
    %get3A_30 = vector.load %arg6[%get3A_28, %get3A_29] : memref<1x70xf32, #tpu.memory_space<vmem>>, vector<1x70xf32>
    %add3A_31 = vector.broadcast %get3A_30 : vector<1x70xf32> to vector<1000x70xf32>
    %add3A_32 = arith.addf %dot_general3A_27, %add3A_31 : vector<1000x70xf32>
    %swap3A = arith.constant 0 : index
    %swap3A_33 = arith.constant 0 : index
    %swap3A_34 = vector.load %arg7[%swap3A, %swap3A_33] : memref<1000x70xf32, #tpu.memory_space<vmem>>, vector<1000x70xf32>
    tpu.vector_store %arg7[%swap3A, %swap3A_33], %add3A_32 {strides = array<i32>} : memref<1000x70xf32, #tpu.memory_space<vmem>>, vector<1000x70xf32>,
    return
  }
  func.func @transform_0(%arg0: i32) -> (i32, i32, i32) {
    %c0_i32 = arith.constant 0 : i32
    %c0_i32_0 = arith.constant 0 : i32
    %c0_i32_1 = arith.constant 0 : i32
    return %c0_i32, %arg0, %c0_i32_0 : i32, i32, i32
  }
  func.func @transform_1(%arg0: i32) -> (i32, i32) {
    %c0_i32 = arith.constant 0 : i32
    %c0_i32_0 = arith.constant 0 : i32
    return %arg0, %c0_i32 : i32, i32
  }
  func.func @transform_2(%arg0: i32) -> (i32, i32) {
    %c0_i32 = arith.constant 0 : i32
    %c0_i32_0 = arith.constant 0 : i32
    return %arg0, %c0_i32 : i32, i32
  }
  func.func @transform_3(%arg0: i32) -> (i32, i32) {
    %c0_i32 = arith.constant 0 : i32
    %c0_i32_0 = arith.constant 0 : i32
    %c0_i32_1 = arith.constant 0 : i32
    return %c0_i32, %c0_i32_0 : i32, i32
  }
  func.func @transform_4(%arg0: i32) -> (i32, i32) {
    %c0_i32 = arith.constant 0 : i32
    %c0_i32_0 = arith.constant 0 : i32
    %c0_i32_1 = arith.constant 0 : i32
    return %c0_i32, %c0_i32_0 : i32, i32
  }
  func.func @transform_5(%arg0: i32) -> (i32, i32) {
    %c0_i32 = arith.constant 0 : i32
    %c0_i32_0 = arith.constant 0 : i32
    %c0_i32_1 = arith.constant 0 : i32
    return %c0_i32, %c0_i32_0 : i32, i32
  }
  func.func @transform_6(%arg0: i32) -> (i32, i32) {
    %c0_i32 = arith.constant 0 : i32
    %c0_i32_0 = arith.constant 0 : i32
    return %arg0, %c0_i32 : i32, i32
  }
}

</mosaic_0001>

<sc_bundles>
// kernel: kernel.6.cloned.1.call-start
scs
__scs_entry_jumppad:
0x0: {  	(pc) =	sbr.rel $0x88, $3  }
0x1: {  	(tag) =	ssettag $0x0;
	lr =	simm.s32 $0x1  }
0x2: {  	[smem:$0x3F9B] =	sst lr;
	_ =	strace $0xD0000000  }
0x3: {  	_ = 	snop  }
0x4: {  	_ = 	snop  }
0x5: {  	_ = 	snop  }
0x6: {  	_ = 	snop  }
0x7: {  	_ = 	snop  }
__scs_overlays_trampoline_lowered:
0x8: {  	[smem:$0x3FAA] =	sst s0  }
0x9: {  	[smem:$0x3FAB] =	sst s1  }
0xa: {  	[smem:$0x3FAC] =	sst s2  }
0xb: {  	[smem:$0x3FAD] =	sst s3  }
0xc: {  	[smem:$0x3FAE] =	sst s4  }
0xd: {  	[smem:$0x3FAF] =	sst s5  }
0xe: {  	[smem:$0x3FB0] =	sst s6  }
0xf: {  	[smem:$0x3FB1] =	sst s7  }
0x10: {  	[smem:$0x3FB2] =	sst s8  }
0x11: {  	[smem:$0x3FB3] =	sst s9;
	s0 =	simm.s32 @!p0 $0x0  }
0x12: {  	s1 =	sld [smem:$0x3F99];
	s0 =	simm.s32 @p0 $0x1  }
0x13: {  	[smem:$0x3FB4] =	sst s0;
	s0 =	simm.s32 @!p1 $0x0  }
0x14: {  	s2 =	sld [smem:$0x3F98];
	s0 =	simm.s32 @p1 $0x1  }
0x15: {  	[smem:$0x3FB5] =	sst s0;
	s0 =	simm.s32 @!p2 $0x0  }
0x16: {  	s3 =	sld [smem:$0x3FDB];
	s0 =	simm.s32 @p2 $0x1  }
0x17: {  	s4 =	simm.s32 $0x1BF5;
	[smem:$0x3FB7] =	sst s0  }
0x18: {  	s0 =	sld [smem:$0x3F9A];
	_ =	swait.ge [sflag:s4], $0x0  }
0x19: {  	s7 =	sld [smem:$0x3F9B]  }
0x1a: {  	s8 =	sadd.s32 $0xFFFFE003, lr  }
0x1b: {  	s9 =	sadd.s32 $0xFFFFFEF7, lr;
	s5 =	simm.s32 $0xFFFFFFFF;
	p2 =	slt.u32 s8, $0xFFFFF086  }
0x1c: {  	p1 =	slt.u32 s9, $0xF7A;
	s5 =	simm.s32 @!p2 $0x0  }
0x1d: {  	s5 =	simm.s32 @p1 $0x1;
	p0 =	seq.s32 s7, s2  }
0x1e: {  	s7 =	smul.u32 @!p0 $0xF7A, s2;
	p2 =	seq.s32 @!p0 s5, $0x0  }
0x1f: {  	s9 =	smul.u32 $0xF7A, s1;
	s8 =	simm.s32 @!p0 $0x1BF5;
	p2 =	por !p2, p0  }
0x20: {  	[sflag:s8] =	ssyncset.s32 @!p0 $0xFFFFF086;
	s6 =	sadd.s32 @!p0 s3, s7;
	s7 =	simm.s32 @!p0 $0x108  }
0x21: {  	s3 =	sadd.s32 s3, s9;
	s6 =	sadd.s32 @!p0 $0x88, s6;
	s7 =	simm.s32 @p2 $0x1082  }
0x22: {  	[simem:s7], [sflag:s8] =	dma.local @!p0 [hbm:s6], $0xF7A  }
0x23: {  	s9 =	sor.u32 $0xD0000000, s2;
	s6 =	simm.s32 $0x108;
	_ =	swait.ge @!p0 [sflag:s8], $0x0  }
0x24: {  	s3 =	sadd.s32 $0x88, s3;
	s6 =	simm.s32 @!p1 $0x1082;
	[sflag:s4] =	ssyncset.s32 $0xFFFFF086  }
0x25: {  	[simem:s6], [sflag:s4] =	dma.local [hbm:s3], $0xF7A  }
0x26: {  	[smem:$0x3F9B] =	sst s1;
	(tag) =	ssettag s2;
	_ =	strace s9  }
0x27: {  	s1 =	sld [smem:$0x3FAB]  }
0x28: {  	s2 =	sld [smem:$0x3FAC]  }
0x29: {  	s4 =	sld [smem:$0x3FAE]  }
0x2a: {  	p0 =	seq.s32 s5, $0x0;
	s5 =	sld [smem:$0x3FAF]  }
0x2b: {  	s6 =	sld [smem:$0x3FB0]  }
0x2c: {  	s7 =	sld [smem:$0x3FB1]  }
0x2d: {  	s3 =	simm.s32 $0x108;
	s8 =	sld [smem:$0x3FB2]  }
0x2e: {  	s3 =	simm.s32 @!p0 $0x1082;
	s9 =	sld [smem:$0x3FB3]  }
0x2f: {  	lr =	sadd.s32 s0, s3;
	s0 =	sld [smem:$0x3FAA]  }
0x30: {  	s3 =	sld [smem:$0x3FAD]  }
0x31: {  	[smem:$0x3FB6] =	sst s10  }
0x32: {  	s10 =	sld [smem:$0x3FB4];
	_ =	sdelay $0x3  }
0x33: {  	p0 =	seq.s32 s10, $0x1;
	s10 =	sld [smem:$0x3FB6];
	_ =	sdelay $0x3  }
0x34: {  	[smem:$0x3FB6] =	sst s10  }
0x35: {  	s10 =	sld [smem:$0x3FB5];
	_ =	sdelay $0x3  }
0x36: {  	p1 =	seq.s32 s10, $0x1;
	s10 =	sld [smem:$0x3FB6];
	_ =	sdelay $0x3  }
0x37: {  	[smem:$0x3FB6] =	sst s10  }
0x38: {  	s10 =	sld [smem:$0x3FB7]  }
0x39: {  	_ = 	snop;
	(pc) =	sbr.ind lr, $3  }
0x3a: {  	_ = 	snop  }
0x3b: {  	_ = 	snop  }
0x3c: {  	p2 =	seq.s32 s10, $0x1;
	s10 =	sld [smem:$0x3FB6]  }
0x3d: {  	_ =	shalt  }
0x3e: {  	_ =	shalt  }
0x3f: {  	_ =	shalt  }
0x40: {  	_ =	shalt  }
0x41: {  	_ =	shalt  }
0x42: {  	_ =	shalt  }
0x43: {  	_ =	shalt  }
0x44: {  	_ =	shalt  }
0x45: {  	_ =	shalt  }
0x46: {  	_ =	shalt  }
0x47: {  	_ =	shalt  }
0x48: {  	_ =	shalt  }
0x49: {  	_ =	shalt  }
0x4a: {  	_ =	shalt  }
0x4b: {  	_ =	shalt  }
0x4c: {  	_ =	shalt  }
0x4d: {  	_ =	shalt  }
0x4e: {  	_ =	shalt  }
0x4f: {  	_ =	shalt  }
0x50: {  	_ =	shalt  }
0x51: {  	_ =	shalt  }
0x52: {  	_ =	shalt  }
0x53: {  	_ =	shalt  }
0x54: {  	_ =	shalt  }
0x55: {  	_ =	shalt  }
0x56: {  	_ =	shalt  }
0x57: {  	_ =	shalt  }
0x58: {  	_ =	shalt  }
0x59: {  	_ =	shalt  }
0x5a: {  	_ =	shalt  }
0x5b: {  	_ =	shalt  }
0x5c: {  	_ =	shalt  }
0x5d: {  	_ =	shalt  }
0x5e: {  	_ =	shalt  }
0x5f: {  	_ =	shalt  }
0x60: {  	_ =	shalt  }
0x61: {  	_ =	shalt  }
0x62: {  	_ =	shalt  }
0x63: {  	_ =	shalt  }
0x64: {  	_ =	shalt  }
0x65: {  	_ =	shalt  }
0x66: {  	_ =	shalt  }
0x67: {  	_ =	shalt  }
0x68: {  	_ =	shalt  }
0x69: {  	_ =	shalt  }
0x6a: {  	_ =	shalt  }
0x6b: {  	_ =	shalt  }
0x6c: {  	_ =	shalt  }
0x6d: {  	_ =	shalt  }
0x6e: {  	_ =	shalt  }
0x6f: {  	_ =	shalt  }
0x70: {  	_ =	shalt  }
0x71: {  	_ =	shalt  }
0x72: {  	_ =	shalt  }
0x73: {  	_ =	shalt  }
0x74: {  	_ =	shalt  }
0x75: {  	_ =	shalt  }
0x76: {  	_ =	shalt  }
0x77: {  	_ =	shalt  }
0x78: {  	_ =	shalt  }
0x79: {  	_ =	shalt  }
0x7a: {  	_ =	shalt  }
0x7b: {  	_ =	shalt  }
0x7c: {  	_ =	shalt  }
0x7d: {  	_ =	shalt  }
0x7e: {  	_ =	shalt  }
0x7f: {  	_ =	shalt  }
0x80: {  	_ =	shalt  }
0x81: {  	_ =	shalt  }
0x82: {  	_ =	shalt  }
0x83: {  	_ =	shalt  }
0x84: {  	_ =	shalt  }
0x85: {  	_ =	shalt  }
0x86: {  	_ =	shalt  }
0x87: {  	_ =	shalt  }
.Lfunc_end0:
.L_simem_size_0:
called_computation_lowered:
.L_overlay_start_0:
0x88: {  	s2 =	sld [smem:$0x3FD9]  }
0x89: {  	s3 =	sld [smem:$0x3FFE];
	_ =	sdelay $0x1  }
0x8a: {  	s1 =	srdreg.scid  }
0x8b: {  	s0 =	sand.u32 $0x1, s1  }
0x8c: {  	s17 =	sshll.u32 s0, $0xA;
	s2 =	sadd.s32 s3, s2  }
0x8d: {  	s2 =	sadd.s32 s2, s17  }
0x8e: {  	[smem:$0x3FC2] =	sst s2  }
0x8f: {  	_ = 	snop  }
0x90: {  	s2 =	sld [smem:$0x3FD0];
	(tm) =	ssettm $0x1  }
0x91: {  	s18 =	sld [smem:$0x3FFB];
	_ =	sdelay $0x3  }
0x92: {  	_ =	strace s18  }
0x93: {  	s3 =	sld [smem:$0x3FFC];
	_ =	sdelay $0x3  }
0x94: {  	_ =	strace s3  }
0x95: {  	s3 =	sld [smem:$0x3FFD];
	_ =	sdelay $0x3  }
0x96: {  	_ =	strace s3  }
0x97: {  	_ =	strace $0x8FFFFFFF  }
0x98: {  	s19 =	sld [smem:$0x3FDB];
	_ =	sdelay $0x1  }
0x99: {  	s4 =	simm.s32 $_scs_section_size  }
0x9a: {  	s5 =	simm.s32 $_size__tile_overlayer_lowered;
	s6 =	simm.s32 $_tile_overlayer_lowered  }
0x9b: {  	s22 =	simm.s32 $0x1BFF;
	s21 =	sshll.u32 s6, $0x1;
	s3 =	sadd.s32 s4, s19  }
0x9c: {  	s7 =	simm.s32 $0x0;
	s20 =	sshll.u32 s5, $0x1;
	s5 =	sadd.s32 s21, s3  }
0x9d: {  	[timem:s7], [sflag:s22] =	dma.local [hbm:s5], s20  }
0x9e: {  	_ =	swait.ge [sflag:s22], s20  }
0x9f: {  	s4 =	ssub.s32 $0x0, s20;
	[sflag:s22] =	ssyncset.done $0x0  }
0xa0: {  	[sflag:s22] =	ssyncadd.s32 s4;
	_ =	sdelay $0x1  }
0xa1: {  	s23 =	simm.s32 $0x1B8B  }
0xa2: {  	_ =	swait.ge [sflag:s23], $0x1  }
0xa3: {  	[sflag:s23] =	ssyncset.done $0x0  }
0xa4: {  	s25 =	simm.s32 $0x1B8E;
	s24 =	sld [smem:$0x3FFE];
	[sflag:s23] =	ssyncadd.s32 $0xFFFFFFFF  }
0xa5: {  	s26 =	simm.s32 $execute0_lowered;
	[smem:$0x3FD2] =	sst s25  }
0xa6: {  	s5 =	sshll.u32 s26, $0x1;
	_ =	strace $0x80000046;
	[dreg:$0x1] =	wrdreg $0xFFFFFFFF  }
0xa7: {  	s28 =	simm.s32 $_size_execute0_lowered;
	s3 =	sadd.s32 s3, s5;
	[dreg:$0x0] =	wrdreg $0x0  }
0xa8: {  	s5 =	sshll.u32 s28, $0x1;
	[dreg:$0x2] =	wrdreg s3  }
0xa9: {  	[dreg:$0x3] =	wrdreg s5  }
0xaa: {  	[dreg:$0x4] =	wrdreg $0xC0  }
0xab: {  	_ =	task [dreg:s7], $0x5FFFF  }
0xac: {  	[dreg:$0x1] =	wrdreg $0xFFFFFFFF  }
0xad: {  	[dreg:$0x0] =	wrdreg $0x60  }
0xae: {  	[dreg:$0x2] =	wrdreg s2  }
0xaf: {  	[dreg:$0x3] =	wrdreg s24  }
0xb0: {  	[dreg:$0x4] =	wrdreg $0x2B800  }
0xb1: {  	[dreg:$0x5] =	wrdreg $0x9  }
0xb2: {  	_ =	task.clear_ibuf [dreg:s7], $0x6FFFF;
	_ =	strace $0x90000046  }
0xb3: {  	s29 =	simm.s32 $0x9;
	_ =	strace $0x80000048  }
0xb4: {  	_ =	swait.ge [sflag:s29], $0x1  }
0xb5: {  	[sflag:s29] =	ssyncadd.s32 $0xFFFFFFFF  }
0xb6: {  	_ =	strace $0x90000048  }
0xb7: {  	_ =	sfence  }
0xb8: {  	s30 =	sld [smem:$0x0];
	_ =	sdelay $0x2  }
0xb9: {  	s31 =	sshll.u32 s1, $0xD;
	s1 =	sshrl.u32 s1, $0x2  }
0xba: {  	s3 =	sand.u32 $0x4000, s31;
	s1 =	sadd.s32 s1, s30  }
0xbb: {  	s0 =	sor.u32 s3, s0;
	s1 =	sshll.u32 s1, $0x11  }
0xbc: {  	s0 =	sor.u32 s1, s0  }
0xbd: {  	s0 =	sadd.s32 $0x8F2B, s0  }
0xbe: {  	[sflag:s0] =	ssyncadd.remote.s32 $0x1  }
0xbf: {  	_ =	sfence.sel $0xFFFF  }
0xc0: {  	[dreg:$0x0] =	wrdreg $0xFFFFFFFF;
	(pc) =	sbr.abs _section_cstart, $3  }
0xc1: {  	[dreg:$0x1] =	wrdreg $0xFFFFFFFF  }
0xc2: {  	_ =	task.clear_ibuf [dreg:s7], $0x2FFFF;
	_ =	strace $0x9FFFFFFF  }
0xc3: {  	(tm) =	ssettm $0x7FFFFFFF  }
tec
execute0_lowered:
.L_overlay_start_1:
0x0: {  	(tag) =	ssettag $0x1  }
0x1: {  	s5 =	rddreg [dreg:$0x0]  }
0x2: {  	s6 =	rddreg [dreg:$0x1]  }
0x3: {  	s0 =	srdreg.scid;
	s2 =	rddreg [dreg:$0x2];
	s10 =	simm.s32 $0x80  }
0x4: {  	s11 =	simm.s32 $0x2800;
	s12 =	simm.s32 $0x2880;
	s4 =	sand.u32 $0x1, s0  }
0x5: {  	s15 =	simm.s32 $0x0;
	s0 =	stileid.u32;
	s1 =	sshll.u32 s4, $0x4  }
0x6: {  	s3 =	sshll.u32 s0, $0x1;
	s9 =	smul.u32 $0xA00, s0;
	s13 =	sshll.u32 s0, $0x6  }
0x7: {  	s1 =	sor.u32 s0, s1;
	s8 =	sor.u32 s4, s3;
	s3 =	simm.s32 $0x0  }
0x8: {  	s4 =	ssub.s32 $0x2, s4;
	s7 =	smul.u32 $0x50, s1;
	s1 =	rddreg [dreg:$0x3]  }
0x9: {  	s13 =	sor.u32 $0x1C01, s13;
	s8 =	smul.u32 $0x500, s8;
	[smem:$0x7FF] =	sst s3  }
0xa: {  	s30 =	sshrl.u32 s4, $0x1;
	s31 =	sshrl.u32 s9, $0x2;
	s9 =	simm.s32 $0x2900  }
0xb: {  	_ =	strace $0x80000047;
	s6 =	sadd.s32 s7, s6;
	s7 =	ssub.s32 s4, s30  }
0xc: {  	s4 =	sadd.s32 s5, s8;
	s5 =	sadd.s32 s31, s2;
	s8 =	simm.s32 $0x1  }
0xd: {  	v0 =	vimm.f32 $1.000000000e+00;
	v1 =	vimm.f32 $0.0e+00;
	s6 =	sadd.s32 $0x2000, s6;
	s7 =	smax.u32 s7, $0x1;
	s14 =	sshrl.u32 s5, $0x3  }
.LBB2_1:
0xe: {  	[tilespmem:s3], [sflag:$0x1] =	stream.linear.gather [hbm4b:s4+s3], $0x2800, $0x38;
	[tilespmem:$0x2E00] =	vst v63  }
0xf: {  	_ =	swait.ge [sflag:s8], $0x2800  }
0x10: {  	[sflag:s8] =	ssyncset.done $0x0  }
0x11: {  	[sflag:s8] =	ssyncadd.s32 $0xFFFFD800  }
0x12: {  	[tilespmem:$0x2880] =	vst v0  }
0x13: {  	[tilespmem:$0x2890] =	vst v0  }
0x14: {  	[tilespmem:$0x28A0] =	vst v0  }
0x15: {  	[tilespmem:$0x28B0] =	vst v0  }
0x16: {  	[tilespmem:$0x28C0] =	vst v0  }
0x17: {  	[tilespmem:$0x28D0] =	vst v0  }
0x18: {  	[tilespmem:$0x28E0] =	vst v0  }
0x19: {  	[tilespmem:$0x28F0] =	vst v0  }
0x1a: {  	[tilespmem:$0x2900] =	vst v1  }
0x1b: {  	[tilespmem:$0x2910] =	vst v1  }
0x1c: {  	[tilespmem:$0x2920] =	vst v1  }
0x1d: {  	[tilespmem:$0x2930] =	vst v1  }
0x1e: {  	[tilespmem:$0x2940] =	vst v1  }
0x1f: {  	[tilespmem:$0x2950] =	vst v1  }
0x20: {  	[tilespmem:$0x2960] =	vst v1  }
0x21: {  	[tilespmem:$0x2970] =	vst v1  }
0x22: {  	[tilespmem:$0x2980] =	vst v1  }
0x23: {  	[tilespmem:$0x2990] =	vst v1  }
0x24: {  	[tilespmem:$0x29A0] =	vst v1  }
0x25: {  	[tilespmem:$0x29B0] =	vst v1  }
0x26: {  	[tilespmem:$0x29C0] =	vst v1  }
0x27: {  	[tilespmem:$0x29D0] =	vst v1  }
0x28: {  	[tilespmem:$0x29E0] =	vst v1  }
0x29: {  	[tilespmem:$0x29F0] =	vst v1  }
0x2a: {  	[tilespmem:$0x2A00] =	vst v1  }
0x2b: {  	[tilespmem:$0x2A10] =	vst v1  }
0x2c: {  	[tilespmem:$0x2A20] =	vst v1  }
0x2d: {  	[tilespmem:$0x2A30] =	vst v1  }
0x2e: {  	[tilespmem:$0x2A40] =	vst v1  }
0x2f: {  	[tilespmem:$0x2A50] =	vst v1  }
0x30: {  	[tilespmem:$0x2A60] =	vst v1  }
0x31: {  	[tilespmem:$0x2A70] =	vst v1  }
0x32: {  	[tilespmem:$0x2A80] =	vst v1  }
0x33: {  	[tilespmem:$0x2A90] =	vst v1  }
0x34: {  	[tilespmem:$0x2AA0] =	vst v1  }
0x35: {  	[tilespmem:$0x2AB0] =	vst v1  }
0x36: {  	[tilespmem:$0x2AC0] =	vst v1  }
0x37: {  	[tilespmem:$0x2AD0] =	vst v1  }
0x38: {  	[tilespmem:$0x2AE0] =	vst v1  }
0x39: {  	[tilespmem:$0x2AF0] =	vst v1  }
0x3a: {  	[tilespmem:$0x2B00] =	vst v1  }
0x3b: {  	[tilespmem:$0x2B10] =	vst v1  }
0x3c: {  	[tilespmem:$0x2B20] =	vst v1  }
0x3d: {  	[tilespmem:$0x2B30] =	vst v1  }
0x3e: {  	[tilespmem:$0x2B40] =	vst v1  }
0x3f: {  	[tilespmem:$0x2B50] =	vst v1  }
0x40: {  	[tilespmem:$0x2B60] =	vst v1  }
0x41: {  	[tilespmem:$0x2B70] =	vst v1  }
0x42: {  	[spmem:s5] =	stream.linear.scatter [tilespmem:s9], [sflag:$0x1], $0x280, $0x38;
	[tilespmem:$0x2E00] =	vst v63  }
0x43: {  	_ =	swait.ge [sflag:s8], $0x280  }
0x44: {  	[sflag:s8] =	ssyncset.done $0x0  }
0x45: {  	[sflag:s8] =	ssyncadd.s32 $0xFFFFFD80  }
0x46: {  	s16 =	simm.s32 $0x0;
	[bflag:$0x0] =	sbarrier.arrive $0xFFFF  }
0x47: {  	v2 =	vld [tilespmem:s16+$0x0];
	_ =	sdelay $0x4  }
0x48: {  	v2 =	vshrl.u32 v2, $0x10  }
0x49: {  	[tilespmem:$0x2800] =	vst v2  }
0x4a: {  	v2 =	vld [tilespmem:s16+$0x10];
	_ =	sdelay $0x4  }
0x4b: {  	v2 =	vshrl.u32 v2, $0x10  }
0x4c: {  	[tilespmem:$0x2810] =	vst v2  }
0x4d: {  	v2 =	vld [tilespmem:s16+$0x20];
	_ =	sdelay $0x4  }
0x4e: {  	v2 =	vshrl.u32 v2, $0x10  }
0x4f: {  	[tilespmem:$0x2820] =	vst v2  }
0x50: {  	v2 =	vld [tilespmem:s16+$0x30];
	_ =	sdelay $0x4  }
0x51: {  	v2 =	vshrl.u32 v2, $0x10  }
0x52: {  	[tilespmem:$0x2830] =	vst v2  }
0x53: {  	v2 =	vld [tilespmem:s16+$0x40];
	_ =	sdelay $0x4  }
0x54: {  	v2 =	vshrl.u32 v2, $0x10  }
0x55: {  	[tilespmem:$0x2840] =	vst v2  }
0x56: {  	v2 =	vld [tilespmem:s16+$0x50];
	_ =	sdelay $0x4  }
0x57: {  	v2 =	vshrl.u32 v2, $0x10  }
0x58: {  	[tilespmem:$0x2850] =	vst v2  }
0x59: {  	v2 =	vld [tilespmem:s16+$0x60];
	_ =	sdelay $0x4  }
0x5a: {  	v2 =	vshrl.u32 v2, $0x10  }
0x5b: {  	[tilespmem:$0x2860] =	vst v2  }
0x5c: {  	v2 =	vld [tilespmem:s16+$0x70];
	_ =	sdelay $0x4  }
0x5d: {  	v2 =	vshrl.u32 v2, $0x10  }
0x5e: {  	[tilespmem:$0x2870] =	vst v2  }
0x5f: {  	[spmem:s2] =	stream.indirect.scatter.add.f32 [tilespmem:s12], [sflag:$0x1], $0x1, s11, s10, $0xb8;
	[tilespmem:$0x2E00] =	vst v63  }
0x60: {  	_ =	swait.ge [sflag:s8], $0x80  }
0x61: {  	s19 =	simm.s32 $0x400;
	s16 =	simm.s32 $0x200;
	[sflag:s8] =	ssyncset.done $0x0  }
.LBB2_2:
0x62: {  	s18 =	sshra.s32 s16, $0x2  }
0x63: {  	[sflag:s8] =	ssyncadd.s32 $0xFFFFFF80;
	s16 =	smov.u32 s19;
	s17 =	sadd.s32 $0x200, s19  }
0x64: {  	p0 =	sne.s32 s19, $0x9E00;
	v2 =	vld [tilespmem:s18+$0x0];
	_ =	sdelay $0x4  }
0x65: {  	v2 =	vshrl.u32 v2, $0x10  }
0x66: {  	[tilespmem:$0x2800] =	vst v2  }
0x67: {  	v2 =	vld [tilespmem:s18+$0x10];
	_ =	sdelay $0x4  }
0x68: {  	v2 =	vshrl.u32 v2, $0x10  }
0x69: {  	[tilespmem:$0x2810] =	vst v2  }
0x6a: {  	v2 =	vld [tilespmem:s18+$0x20];
	_ =	sdelay $0x4  }
0x6b: {  	v2 =	vshrl.u32 v2, $0x10  }
0x6c: {  	[tilespmem:$0x2820] =	vst v2  }
0x6d: {  	v2 =	vld [tilespmem:s18+$0x30];
	_ =	sdelay $0x4  }
0x6e: {  	v2 =	vshrl.u32 v2, $0x10  }
0x6f: {  	[tilespmem:$0x2830] =	vst v2  }
0x70: {  	v2 =	vld [tilespmem:s18+$0x40];
	_ =	sdelay $0x4  }
0x71: {  	v2 =	vshrl.u32 v2, $0x10  }
0x72: {  	[tilespmem:$0x2840] =	vst v2  }
0x73: {  	v2 =	vld [tilespmem:s18+$0x50];
	_ =	sdelay $0x4  }
0x74: {  	v2 =	vshrl.u32 v2, $0x10  }
0x75: {  	[tilespmem:$0x2850] =	vst v2  }
0x76: {  	v2 =	vld [tilespmem:s18+$0x60];
	_ =	sdelay $0x4  }
0x77: {  	v2 =	vshrl.u32 v2, $0x10  }
0x78: {  	[tilespmem:$0x2860] =	vst v2  }
0x79: {  	v2 =	vld [tilespmem:s18+$0x70];
	_ =	sdelay $0x4  }
.Ltmp0:
0x7a: {  	v2 =	vshrl.u32 v2, $0x10;
	(pc) =	sbr.rel @p0 .LBB2_2-.Ltmp0, $4  }
0x7b: {  	[tilespmem:$0x2870] =	vst v2  }
0x7c: {  	[spmem:s2] =	stream.indirect.scatter.add.f32 [tilespmem:s12], [sflag:$0x1], $0x1, s11, s10, $0xb8;
	[tilespmem:$0x2E00] =	vst v63  }
0x7d: {  	_ =	swait.ge [sflag:s8], $0x80  }
0x7e: {  	s19 =	smov.u32 s17;
	[sflag:s8] =	ssyncset.done $0x0  }
0x7f: {  	s16 =	sshra.s32 s16, $0x2;
	[sflag:s8] =	ssyncadd.s32 $0xFFFFFF80  }
0x80: {  	v2 =	vld [tilespmem:s16+$0x0];
	_ =	sdelay $0x4  }
0x81: {  	v2 =	vshrl.u32 v2, $0x10  }
0x82: {  	[tilespmem:$0x2800] =	vst v2  }
0x83: {  	v2 =	vld [tilespmem:s16+$0x10];
	_ =	sdelay $0x4  }
0x84: {  	v2 =	vshrl.u32 v2, $0x10  }
0x85: {  	[tilespmem:$0x2810] =	vst v2  }
0x86: {  	v2 =	vld [tilespmem:s16+$0x20];
	_ =	sdelay $0x4  }
0x87: {  	v2 =	vshrl.u32 v2, $0x10  }
0x88: {  	[tilespmem:$0x2820] =	vst v2  }
0x89: {  	v2 =	vld [tilespmem:s16+$0x30];
	_ =	sdelay $0x4  }
0x8a: {  	v2 =	vshrl.u32 v2, $0x10  }
0x8b: {  	[tilespmem:$0x2830] =	vst v2  }
0x8c: {  	v2 =	vld [tilespmem:s16+$0x40];
	_ =	sdelay $0x4  }
0x8d: {  	v2 =	vshrl.u32 v2, $0x10  }
0x8e: {  	[tilespmem:$0x2840] =	vst v2  }
0x8f: {  	v2 =	vld [tilespmem:s16+$0x50];
	_ =	sdelay $0x4  }
0x90: {  	v2 =	vshrl.u32 v2, $0x10  }
0x91: {  	[tilespmem:$0x2850] =	vst v2  }
0x92: {  	v2 =	vld [tilespmem:s16+$0x60];
	_ =	sdelay $0x4  }
0x93: {  	v2 =	vshrl.u32 v2, $0x10  }
0x94: {  	[tilespmem:$0x2860] =	vst v2  }
0x95: {  	v2 =	vld [tilespmem:s16+$0x70];
	_ =	sdelay $0x4  }
0x96: {  	v2 =	vshrl.u32 v2, $0x10  }
0x97: {  	[tilespmem:$0x2870] =	vst v2  }
0x98: {  	[spmem:s2] =	stream.indirect.scatter.add.f32 [tilespmem:s12], [sflag:$0x1], $0x1, s11, s10, $0xb8;
	[tilespmem:$0x2E00] =	vst v63  }
0x99: {  	_ =	swait.ge [sflag:s8], $0x80  }
0x9a: {  	s15 =	sadd.s32 $0x1, s15;
	[sflag:s8] =	ssyncset.done $0x0  }
0x9b: {  	p0 =	sne.s32 s15, s7;
	[sflag:s8] =	ssyncadd.s32 $0xFFFFFF80  }
.Ltmp1:
0x9c: {  	[bflag:$0x0] =	sbarrier.arrive $0xFFFF;
	(pc) =	sbr.rel @p0 .LBB2_1-.Ltmp1, $4  }
0x9d: {  	[hbm:s6], [sflag:s13] =	dma.local [spmem:s14], $0x50  }
0x9e: {  	_ =	swait.ge [sflag:s8], $0x50  }
0x9f: {  	[sflag:s8] =	ssyncset.done $0x0  }
0xa0: {  	[sflag:s8] =	ssyncadd.s32 $0xFFFFFFB0  }
0xa1: {  	_ =	sfence.sel $0x180000  }
0xa2: {  	[bflag:$0x0] =	sbarrier.arrive $0xFFFF  }
0xa3: {  	p0 =	sne.s32 s0, $0x0;
	_ =	strace $0x90000047  }
0xa4: {  	s0 =	sadd.s32 @!p0 $0x100000, s1;
	[bflag:$0x2] =	sbarrier.arrive $0xFFFF  }
0xa5: {  	[sflag:s0] =	ssyncadd.tile.s32 @!p0 $0x1;
	_ =	shalt  }
.Lfunc_end2:
_tile_overlayer_lowered:
.L_overlay_start_2:
0xa6: {  	(tag) =	ssettag $0x2  }
0xa7: {  	s0 =	rddreg [dreg:$0x0];
	s2 =	stileid.u32  }
0xa8: {  	s1 =	rddreg [dreg:$0x1];
	p0 =	sne.s32 s2, $0x0  }
0xa9: {  	s3 =	rddreg [dreg:$0x2];
	[bflag:$0x3] =	sbarrier.arrive $0xFFFF;
	s2 =	simm.s32 @!p0 $0x1C01  }
0xaa: {  	[timem:s3], [sflag:s2] =	dma.local @!p0 [hbm:s0], s1  }
0xab: {  	s0 =	simm.s32 @!p0 $0x1  }
0xac: {  	_ =	swait.ge @!p0 [sflag:s0], s1  }
0xad: {  	s1 =	ssub.s32 @!p0 $0x0, s1;
	[sflag:s0] =	ssyncset.done @!p0 $0x0  }
0xae: {  	[sflag:s0] =	ssyncadd.s32 @!p0 s1  }
0xaf: {  	[bflag:$0x3] =	sbarrier.arrive $0xFFFF  }
0xb0: {  	_ =	shalt  }

// kernel: kernel.9.cloned.1.call-start
scs
__scs_entry_jumppad:
0x0: {  	(pc) =	sbr.rel $0x88, $3  }
0x1: {  	(tag) =	ssettag $0x0;
	lr =	simm.s32 $0x1  }
0x2: {  	[smem:$0x3F9B] =	sst lr;
	_ =	strace $0xD0000000  }
0x3: {  	_ = 	snop  }
0x4: {  	_ = 	snop  }
0x5: {  	_ = 	snop  }
0x6: {  	_ = 	snop  }
0x7: {  	_ = 	snop  }
__scs_overlays_trampoline_lowered:
0x8: {  	[smem:$0x3FAA] =	sst s0  }
0x9: {  	[smem:$0x3FAB] =	sst s1  }
0xa: {  	[smem:$0x3FAC] =	sst s2  }
0xb: {  	[smem:$0x3FAD] =	sst s3  }
0xc: {  	[smem:$0x3FAE] =	sst s4  }
0xd: {  	[smem:$0x3FAF] =	sst s5  }
0xe: {  	[smem:$0x3FB0] =	sst s6  }
0xf: {  	[smem:$0x3FB1] =	sst s7  }
0x10: {  	[smem:$0x3FB2] =	sst s8  }
0x11: {  	[smem:$0x3FB3] =	sst s9;
	s0 =	simm.s32 @!p0 $0x0  }
0x12: {  	s1 =	sld [smem:$0x3F99];
	s0 =	simm.s32 @p0 $0x1  }
0x13: {  	[smem:$0x3FB4] =	sst s0;
	s0 =	simm.s32 @!p1 $0x0  }
0x14: {  	s2 =	sld [smem:$0x3F98];
	s0 =	simm.s32 @p1 $0x1  }
0x15: {  	[smem:$0x3FB5] =	sst s0;
	s0 =	simm.s32 @!p2 $0x0  }
0x16: {  	s3 =	sld [smem:$0x3FDB];
	s0 =	simm.s32 @p2 $0x1  }
0x17: {  	s4 =	simm.s32 $0x1BF5;
	[smem:$0x3FB7] =	sst s0  }
0x18: {  	s0 =	sld [smem:$0x3F9A];
	_ =	swait.ge [sflag:s4], $0x0  }
0x19: {  	s7 =	sld [smem:$0x3F9B]  }
0x1a: {  	s8 =	sadd.s32 $0xFFFFE003, lr  }
0x1b: {  	s9 =	sadd.s32 $0xFFFFFEF7, lr;
	s5 =	simm.s32 $0xFFFFFFFF;
	p2 =	slt.u32 s8, $0xFFFFF086  }
0x1c: {  	p1 =	slt.u32 s9, $0xF7A;
	s5 =	simm.s32 @!p2 $0x0  }
0x1d: {  	s5 =	simm.s32 @p1 $0x1;
	p0 =	seq.s32 s7, s2  }
0x1e: {  	s7 =	smul.u32 @!p0 $0xF7A, s2;
	p2 =	seq.s32 @!p0 s5, $0x0  }
0x1f: {  	s9 =	smul.u32 $0xF7A, s1;
	s8 =	simm.s32 @!p0 $0x1BF5;
	p2 =	por !p2, p0  }
0x20: {  	[sflag:s8] =	ssyncset.s32 @!p0 $0xFFFFF086;
	s6 =	sadd.s32 @!p0 s3, s7;
	s7 =	simm.s32 @!p0 $0x108  }
0x21: {  	s3 =	sadd.s32 s3, s9;
	s6 =	sadd.s32 @!p0 $0x88, s6;
	s7 =	simm.s32 @p2 $0x1082  }
0x22: {  	[simem:s7], [sflag:s8] =	dma.local @!p0 [hbm:s6], $0xF7A  }
0x23: {  	s9 =	sor.u32 $0xD0000000, s2;
	s6 =	simm.s32 $0x108;
	_ =	swait.ge @!p0 [sflag:s8], $0x0  }
0x24: {  	s3 =	sadd.s32 $0x88, s3;
	s6 =	simm.s32 @!p1 $0x1082;
	[sflag:s4] =	ssyncset.s32 $0xFFFFF086  }
0x25: {  	[simem:s6], [sflag:s4] =	dma.local [hbm:s3], $0xF7A  }
0x26: {  	[smem:$0x3F9B] =	sst s1;
	(tag) =	ssettag s2;
	_ =	strace s9  }
0x27: {  	s1 =	sld [smem:$0x3FAB]  }
0x28: {  	s2 =	sld [smem:$0x3FAC]  }
0x29: {  	s4 =	sld [smem:$0x3FAE]  }
0x2a: {  	p0 =	seq.s32 s5, $0x0;
	s5 =	sld [smem:$0x3FAF]  }
0x2b: {  	s6 =	sld [smem:$0x3FB0]  }
0x2c: {  	s7 =	sld [smem:$0x3FB1]  }
0x2d: {  	s3 =	simm.s32 $0x108;
	s8 =	sld [smem:$0x3FB2]  }
0x2e: {  	s3 =	simm.s32 @!p0 $0x1082;
	s9 =	sld [smem:$0x3FB3]  }
0x2f: {  	lr =	sadd.s32 s0, s3;
	s0 =	sld [smem:$0x3FAA]  }
0x30: {  	s3 =	sld [smem:$0x3FAD]  }
0x31: {  	[smem:$0x3FB6] =	sst s10  }
0x32: {  	s10 =	sld [smem:$0x3FB4];
	_ =	sdelay $0x3  }
0x33: {  	p0 =	seq.s32 s10, $0x1;
	s10 =	sld [smem:$0x3FB6];
	_ =	sdelay $0x3  }
0x34: {  	[smem:$0x3FB6] =	sst s10  }
0x35: {  	s10 =	sld [smem:$0x3FB5];
	_ =	sdelay $0x3  }
0x36: {  	p1 =	seq.s32 s10, $0x1;
	s10 =	sld [smem:$0x3FB6];
	_ =	sdelay $0x3  }
0x37: {  	[smem:$0x3FB6] =	sst s10  }
0x38: {  	s10 =	sld [smem:$0x3FB7]  }
0x39: {  	_ = 	snop;
	(pc) =	sbr.ind lr, $3  }
0x3a: {  	_ = 	snop  }
0x3b: {  	_ = 	snop  }
0x3c: {  	p2 =	seq.s32 s10, $0x1;
	s10 =	sld [smem:$0x3FB6]  }
0x3d: {  	_ =	shalt  }
0x3e: {  	_ =	shalt  }
0x3f: {  	_ =	shalt  }
0x40: {  	_ =	shalt  }
0x41: {  	_ =	shalt  }
0x42: {  	_ =	shalt  }
0x43: {  	_ =	shalt  }
0x44: {  	_ =	shalt  }
0x45: {  	_ =	shalt  }
0x46: {  	_ =	shalt  }
0x47: {  	_ =	shalt  }
0x48: {  	_ =	shalt  }
0x49: {  	_ =	shalt  }
0x4a: {  	_ =	shalt  }
0x4b: {  	_ =	shalt  }
0x4c: {  	_ =	shalt  }
0x4d: {  	_ =	shalt  }
0x4e: {  	_ =	shalt  }
0x4f: {  	_ =	shalt  }
0x50: {  	_ =	shalt  }
0x51: {  	_ =	shalt  }
0x52: {  	_ =	shalt  }
0x53: {  	_ =	shalt  }
0x54: {  	_ =	shalt  }
0x55: {  	_ =	shalt  }
0x56: {  	_ =	shalt  }
0x57: {  	_ =	shalt  }
0x58: {  	_ =	shalt  }
0x59: {  	_ =	shalt  }
0x5a: {  	_ =	shalt  }
0x5b: {  	_ =	shalt  }
0x5c: {  	_ =	shalt  }
0x5d: {  	_ =	shalt  }
0x5e: {  	_ =	shalt  }
0x5f: {  	_ =	shalt  }
0x60: {  	_ =	shalt  }
0x61: {  	_ =	shalt  }
0x62: {  	_ =	shalt  }
0x63: {  	_ =	shalt  }
0x64: {  	_ =	shalt  }
0x65: {  	_ =	shalt  }
0x66: {  	_ =	shalt  }
0x67: {  	_ =	shalt  }
0x68: {  	_ =	shalt  }
0x69: {  	_ =	shalt  }
0x6a: {  	_ =	shalt  }
0x6b: {  	_ =	shalt  }
0x6c: {  	_ =	shalt  }
0x6d: {  	_ =	shalt  }
0x6e: {  	_ =	shalt  }
0x6f: {  	_ =	shalt  }
0x70: {  	_ =	shalt  }
0x71: {  	_ =	shalt  }
0x72: {  	_ =	shalt  }
0x73: {  	_ =	shalt  }
0x74: {  	_ =	shalt  }
0x75: {  	_ =	shalt  }
0x76: {  	_ =	shalt  }
0x77: {  	_ =	shalt  }
0x78: {  	_ =	shalt  }
0x79: {  	_ =	shalt  }
0x7a: {  	_ =	shalt  }
0x7b: {  	_ =	shalt  }
0x7c: {  	_ =	shalt  }
0x7d: {  	_ =	shalt  }
0x7e: {  	_ =	shalt  }
0x7f: {  	_ =	shalt  }
0x80: {  	_ =	shalt  }
0x81: {  	_ =	shalt  }
0x82: {  	_ =	shalt  }
0x83: {  	_ =	shalt  }
0x84: {  	_ =	shalt  }
0x85: {  	_ =	shalt  }
0x86: {  	_ =	shalt  }
0x87: {  	_ =	shalt  }
.Lfunc_end0:
.L_simem_size_0:
called_computation.1_lowered:
.L_overlay_start_0:
0x88: {  	s2 =	sld [smem:$0x3FD9]  }
0x89: {  	s3 =	sld [smem:$0x3FFE];
	_ =	sdelay $0x1  }
0x8a: {  	s1 =	srdreg.scid  }
0x8b: {  	s0 =	sand.u32 $0x1, s1  }
0x8c: {  	s17 =	sshll.u32 s0, $0xA;
	s2 =	sadd.s32 s3, s2  }
0x8d: {  	s2 =	sadd.s32 s2, s17  }
0x8e: {  	[smem:$0x3FC2] =	sst s2  }
0x8f: {  	_ = 	snop  }
0x90: {  	s2 =	sld [smem:$0x3FD0];
	(tm) =	ssettm $0x1  }
0x91: {  	s18 =	sld [smem:$0x3FFB];
	_ =	sdelay $0x3  }
0x92: {  	_ =	strace s18  }
0x93: {  	s3 =	sld [smem:$0x3FFC];
	_ =	sdelay $0x3  }
0x94: {  	_ =	strace s3  }
0x95: {  	s3 =	sld [smem:$0x3FFD];
	_ =	sdelay $0x3  }
0x96: {  	_ =	strace s3  }
0x97: {  	_ =	strace $0x8FFFFFFF  }
0x98: {  	s19 =	sld [smem:$0x3FDB];
	_ =	sdelay $0x1  }
0x99: {  	s4 =	simm.s32 $_scs_section_size  }
0x9a: {  	s5 =	simm.s32 $_size__tile_overlayer_lowered;
	s6 =	simm.s32 $_tile_overlayer_lowered  }
0x9b: {  	s22 =	simm.s32 $0x1BFF;
	s21 =	sshll.u32 s6, $0x1;
	s3 =	sadd.s32 s4, s19  }
0x9c: {  	s7 =	simm.s32 $0x0;
	s20 =	sshll.u32 s5, $0x1;
	s5 =	sadd.s32 s21, s3  }
0x9d: {  	[timem:s7], [sflag:s22] =	dma.local [hbm:s5], s20  }
0x9e: {  	_ =	swait.ge [sflag:s22], s20  }
0x9f: {  	s4 =	ssub.s32 $0x0, s20;
	[sflag:s22] =	ssyncset.done $0x0  }
0xa0: {  	[sflag:s22] =	ssyncadd.s32 s4;
	_ =	sdelay $0x1  }
0xa1: {  	s23 =	simm.s32 $0x1B8B  }
0xa2: {  	_ =	swait.ge [sflag:s23], $0x1  }
0xa3: {  	[sflag:s23] =	ssyncset.done $0x0  }
0xa4: {  	s25 =	simm.s32 $0x1B8E;
	s24 =	sld [smem:$0x3FFE];
	[sflag:s23] =	ssyncadd.s32 $0xFFFFFFFF  }
0xa5: {  	s26 =	simm.s32 $execute0_lowered;
	[smem:$0x3FD2] =	sst s25  }
0xa6: {  	s5 =	sshll.u32 s26, $0x1;
	_ =	strace $0x80000049;
	[dreg:$0x1] =	wrdreg $0xFFFFFFFF  }
0xa7: {  	s28 =	simm.s32 $_size_execute0_lowered;
	s3 =	sadd.s32 s3, s5;
	[dreg:$0x0] =	wrdreg $0x0  }
0xa8: {  	s5 =	sshll.u32 s28, $0x1;
	[dreg:$0x2] =	wrdreg s3  }
0xa9: {  	[dreg:$0x3] =	wrdreg s5  }
0xaa: {  	[dreg:$0x4] =	wrdreg $0xC0  }
0xab: {  	_ =	task [dreg:s7], $0x5FFFF  }
0xac: {  	[dreg:$0x1] =	wrdreg $0xFFFFFFFF  }
0xad: {  	[dreg:$0x0] =	wrdreg $0x60  }
0xae: {  	[dreg:$0x2] =	wrdreg s24  }
0xaf: {  	[dreg:$0x3] =	wrdreg s2  }
0xb0: {  	[dreg:$0x4] =	wrdreg $0xAA800  }
0xb1: {  	[dreg:$0x5] =	wrdreg $0x9  }
0xb2: {  	_ =	task.clear_ibuf [dreg:s7], $0x6FFFF;
	_ =	strace $0x90000049  }
0xb3: {  	s29 =	simm.s32 $0x9;
	_ =	strace $0x8000004B  }
0xb4: {  	_ =	swait.ge [sflag:s29], $0x1  }
0xb5: {  	[sflag:s29] =	ssyncadd.s32 $0xFFFFFFFF  }
0xb6: {  	_ =	strace $0x9000004B  }
0xb7: {  	_ =	sfence  }
0xb8: {  	s30 =	sld [smem:$0x0];
	_ =	sdelay $0x2  }
0xb9: {  	s31 =	sshll.u32 s1, $0xD;
	s1 =	sshrl.u32 s1, $0x2  }
0xba: {  	s3 =	sand.u32 $0x4000, s31;
	s1 =	sadd.s32 s1, s30  }
0xbb: {  	s0 =	sor.u32 s3, s0;
	s1 =	sshll.u32 s1, $0x11  }
0xbc: {  	s0 =	sor.u32 s1, s0  }
0xbd: {  	s0 =	sadd.s32 $0x8F2B, s0  }
0xbe: {  	[sflag:s0] =	ssyncadd.remote.s32 $0x1  }
0xbf: {  	_ =	sfence.sel $0xFFFF  }
0xc0: {  	[dreg:$0x0] =	wrdreg $0xFFFFFFFF;
	(pc) =	sbr.abs _section_cstart, $3  }
0xc1: {  	[dreg:$0x1] =	wrdreg $0xFFFFFFFF  }
0xc2: {  	_ =	task.clear_ibuf [dreg:s7], $0x2FFFF;
	_ =	strace $0x9FFFFFFF  }
0xc3: {  	(tm) =	ssettm $0x7FFFFFFF  }
tec
execute0_lowered:
.L_overlay_start_1:
0x0: {  	(tag) =	ssettag $0x1  }
0x1: {  	s5 =	rddreg [dreg:$0x0]  }
0x2: {  	s6 =	rddreg [dreg:$0x1]  }
0x3: {  	s1 =	rddreg [dreg:$0x2];
	s2 =	srdreg.scid;
	s3 =	simm.s32 $0x0  }
0x4: {  	s13 =	simm.s32 $0x3;
	s14 =	simm.s32 $0x2A80;
	s15 =	simm.s32 $0x80  }
0x5: {  	s16 =	simm.s32 $0x2800;
	s17 =	simm.s32 $0x2880;
	s18 =	simm.s32 $0x6A80  }
0x6: {  	s19 =	simm.s32 $0x1;
	s20 =	simm.s32 $0x2900;
	s21 =	simm.s32 $0x2  }
0x7: {  	s22 =	simm.s32 $0x10;
	s23 =	simm.s32 $0x2980;
	s24 =	simm.s32 $0x2A00  }
0x8: {  	s25 =	simm.s32 $0x0;
	s7 =	sand.u32 $0x1, s2;
	s2 =	stileid.u32  }
0x9: {  	[smem:$0x7FF] =	sst s3;
	s4 =	sadd.s32 $0x2000, s5;
	s8 =	smul.u32 $0x13C000, s7  }
0xa: {  	s9 =	smul.u32 $0x13C00, s2;
	_ =	strace $0x8000004A;
	s30 =	sshll.u32 s2, $0x1  }
0xb: {  	s10 =	ssub.s32 $0x2, s7;
	s31 =	smul.u32 $0x4E200, s2;
	s7 =	sor.u32 s7, s30  }
0xc: {  	s11 =	sshrl.u32 s10, $0x1;
	s8 =	sadd.s32 s9, s8;
	s7 =	smul.u32 $0x500, s7  }
0xd: {  	s10 =	ssub.s32 s10, s11;
	s9 =	sshrl.u32 s31, $0x2;
	s8 =	sshrl.u32 s8, $0x3  }
0xe: {  	s8 =	sadd.s32 s8, s5;
	s5 =	sadd.s32 s6, s7;
	s7 =	sadd.s32 s9, s1  }
0xf: {  	s6 =	sadd.s32 $0x29200, s8;
	s8 =	smax.u32 s10, $0x1;
	s9 =	sadd.s32 $0x3E80, s7  }
0x10: {  	v0 =	vimm.f32 $0.0e+00;
	s10 =	sadd.s32 $0x7D00, s7;
	s11 =	sadd.s32 $0xBB80, s7;
	s12 =	sadd.s32 $0xFA00, s7  }
.LBB2_1:
0x11: {  	[tilespmem:s3], [sflag:$0x3] =	stream.linear.gather [hbm4b:s5+s3], $0x2800, $0x38;
	[tilespmem:$0x1E300] =	vst v63  }
0x12: {  	_ =	swait.ge [sflag:s13], $0x2800  }
0x13: {  	[sflag:s13] =	ssyncset.done $0x0  }
0x14: {  	s26 =	simm.s32 $0x0;
	s28 =	simm.s32 $0x200;
	[sflag:s13] =	ssyncadd.s32 $0xFFFFD800  }
.LBB2_2:
0x15: {  	p0 =	sne.s32 s28, $0xF800;
	[tilespmem:s26+$0x2AF0] =	vst v0  }
0x16: {  	[tilespmem:s26+$0x2A80] =	vst v0  }
0x17: {  	[tilespmem:s26+$0x2A90] =	vst v0  }
.Ltmp0:
0x18: {  	[tilespmem:s26+$0x2AA0] =	vst v0;
	(pc) =	sbr.rel @p0 .LBB2_2-.Ltmp0, $4  }
0x19: {  	[tilespmem:s26+$0x2AB0] =	vst v0  }
0x1a: {  	[tilespmem:s26+$0x2AC0] =	vst v0  }
0x1b: {  	[tilespmem:s26+$0x2AD0] =	vst v0  }
0x1c: {  	[tilespmem:s26+$0x2AE0] =	vst v0;
	s26 =	sshra.s32 s28, $0x2;
	s28 =	sadd.s32 $0x200, s28  }
0x1d: {  	[tilespmem:s26+$0x2AF0] =	vst v0  }
0x1e: {  	[tilespmem:s26+$0x2A80] =	vst v0  }
0x1f: {  	[tilespmem:s26+$0x2A90] =	vst v0  }
0x20: {  	[tilespmem:s26+$0x2AA0] =	vst v0  }
0x21: {  	[tilespmem:s26+$0x2AB0] =	vst v0  }
0x22: {  	[tilespmem:s26+$0x2AC0] =	vst v0  }
0x23: {  	[tilespmem:s26+$0x2AD0] =	vst v0  }
0x24: {  	[tilespmem:s26+$0x2AE0] =	vst v0  }
0x25: {  	[spmem:s7] =	stream.linear.scatter [tilespmem:s14], [sflag:$0x3], $0x3E80, $0x38;
	[tilespmem:$0x1E300] =	vst v63  }
0x26: {  	_ =	swait.ge [sflag:s13], $0x3E80  }
0x27: {  	[sflag:s13] =	ssyncset.done $0x0  }
0x28: {  	[sflag:s13] =	ssyncadd.s32 $0xFFFFC180  }
0x29: {  	[spmem:s9] =	stream.linear.scatter [tilespmem:s14], [sflag:$0x3], $0x3E80, $0x38;
	[tilespmem:$0x1E300] =	vst v63  }
0x2a: {  	_ =	swait.ge [sflag:s13], $0x3E80  }
0x2b: {  	[sflag:s13] =	ssyncset.done $0x0  }
0x2c: {  	[sflag:s13] =	ssyncadd.s32 $0xFFFFC180  }
0x2d: {  	[spmem:s10] =	stream.linear.scatter [tilespmem:s14], [sflag:$0x3], $0x3E80, $0x38;
	[tilespmem:$0x1E300] =	vst v63  }
0x2e: {  	_ =	swait.ge [sflag:s13], $0x3E80  }
0x2f: {  	[sflag:s13] =	ssyncset.done $0x0  }
0x30: {  	[sflag:s13] =	ssyncadd.s32 $0xFFFFC180  }
0x31: {  	[spmem:s11] =	stream.linear.scatter [tilespmem:s14], [sflag:$0x3], $0x3E80, $0x38;
	[tilespmem:$0x1E300] =	vst v63  }
0x32: {  	_ =	swait.ge [sflag:s13], $0x3E80  }
0x33: {  	[sflag:s13] =	ssyncset.done $0x0  }
0x34: {  	[sflag:s13] =	ssyncadd.s32 $0xFFFFC180  }
0x35: {  	[spmem:s12] =	stream.linear.scatter [tilespmem:s14], [sflag:$0x3], $0x3E80, $0x38;
	[tilespmem:$0x1E300] =	vst v63  }
0x36: {  	_ =	swait.ge [sflag:s13], $0x3E80  }
0x37: {  	[sflag:s13] =	ssyncset.done $0x0  }
0x38: {  	[sflag:s13] =	ssyncadd.s32 $0xFFFFC180  }
0x39: {  	[bflag:$0x0] =	sbarrier.arrive $0xFFFF  }
0x3a: {  	v1 =	vld [tilespmem:$0x0]  }
0x3b: {  	v2 =	vld [tilespmem:$0x10]  }
0x3c: {  	v3 =	vld [tilespmem:$0x20]  }
0x3d: {  	v4 =	vld [tilespmem:$0x30]  }
0x3e: {  	v5 =	vld [tilespmem:$0x40]  }
0x3f: {  	v6 =	vld [tilespmem:$0x50];
	v1 =	vand.u32 $0xFFFF, v1  }
0x40: {  	[tilespmem:$0x2800] =	vst v1;
	v1 =	vand.u32 $0xFFFF, v2;
	v2 =	vld [tilespmem:$0x60]  }
0x41: {  	[tilespmem:$0x2810] =	vst v1;
	v1 =	vand.u32 $0xFFFF, v3;
	v3 =	vld [tilespmem:$0x70]  }
0x42: {  	[tilespmem:$0x2820] =	vst v1;
	v1 =	vand.u32 $0xFFFF, v4  }
0x43: {  	[tilespmem:$0x2830] =	vst v1;
	v1 =	vand.u32 $0xFFFF, v5  }
0x44: {  	[tilespmem:$0x2840] =	vst v1;
	v1 =	vand.u32 $0xFFFF, v6  }
0x45: {  	[tilespmem:$0x2850] =	vst v1;
	v1 =	vand.u32 $0xFFFF, v2  }
0x46: {  	[tilespmem:$0x2860] =	vst v1;
	v1 =	vand.u32 $0xFFFF, v3  }
0x47: {  	s31 =	simm.s32 $0x0;
	[tilespmem:$0x2870] =	vst v1  }
0x48: {  	[tilespmem:s14], [sflag:$0x1] =	stream.indirect.gather [hbm4b:s4+s15], $0x80, s16, s15, $0xb8;
	[tilespmem:$0x1E300] =	vst v63  }
0x49: {  	v1 =	vld [tilespmem:s31+$0x80];
	_ =	sdelay $0x4  }
0x4a: {  	v1 =	vand.u32 $0xFFFF, v1  }
0x4b: {  	[tilespmem:$0x2880] =	vst v1  }
0x4c: {  	v1 =	vld [tilespmem:s31+$0x90];
	_ =	sdelay $0x4  }
0x4d: {  	v1 =	vand.u32 $0xFFFF, v1  }
0x4e: {  	[tilespmem:$0x2890] =	vst v1  }
0x4f: {  	v1 =	vld [tilespmem:s31+$0xA0];
	_ =	sdelay $0x4  }
0x50: {  	v1 =	vand.u32 $0xFFFF, v1  }
0x51: {  	[tilespmem:$0x28A0] =	vst v1  }
0x52: {  	v1 =	vld [tilespmem:s31+$0xB0];
	_ =	sdelay $0x4  }
0x53: {  	v1 =	vand.u32 $0xFFFF, v1  }
0x54: {  	[tilespmem:$0x28B0] =	vst v1  }
0x55: {  	v1 =	vld [tilespmem:s31+$0xC0];
	_ =	sdelay $0x4  }
0x56: {  	v1 =	vand.u32 $0xFFFF, v1  }
0x57: {  	[tilespmem:$0x28C0] =	vst v1  }
0x58: {  	v1 =	vld [tilespmem:s31+$0xD0];
	_ =	sdelay $0x4  }
0x59: {  	v1 =	vand.u32 $0xFFFF, v1  }
0x5a: {  	[tilespmem:$0x28D0] =	vst v1  }
0x5b: {  	v1 =	vld [tilespmem:s31+$0xE0];
	_ =	sdelay $0x4  }
0x5c: {  	v1 =	vand.u32 $0xFFFF, v1  }
0x5d: {  	[tilespmem:$0x28E0] =	vst v1  }
0x5e: {  	v1 =	vld [tilespmem:s31+$0xF0];
	_ =	sdelay $0x4  }
0x5f: {  	v1 =	vand.u32 $0xFFFF, v1  }
0x60: {  	[tilespmem:$0x28F0] =	vst v1  }
0x61: {  	[tilespmem:s18], [sflag:$0x2] =	stream.indirect.gather [hbm4b:s4+s15], $0x80, s17, s15, $0xb8;
	[tilespmem:$0x1E300] =	vst v63  }
0x62: {  	_ =	swait.ge [sflag:s19], $0x4000  }
0x63: {  	[sflag:s19] =	ssyncset.done $0x0  }
0x64: {  	[sflag:s19] =	ssyncadd.s32 $0xFFFFC000  }
0x65: {  	v1 =	vld [tilespmem:s31+$0x0];
	_ =	sdelay $0x4  }
0x66: {  	v1 =	vshrl.u32 v1, $0x10  }
0x67: {  	[tilespmem:$0x2900] =	vst v1  }
0x68: {  	v1 =	vld [tilespmem:s31+$0x10];
	_ =	sdelay $0x4  }
0x69: {  	v1 =	vshrl.u32 v1, $0x10  }
0x6a: {  	[tilespmem:$0x2910] =	vst v1  }
0x6b: {  	v1 =	vld [tilespmem:s31+$0x20];
	_ =	sdelay $0x4  }
0x6c: {  	v1 =	vshrl.u32 v1, $0x10  }
0x6d: {  	[tilespmem:$0x2920] =	vst v1  }
0x6e: {  	v1 =	vld [tilespmem:s31+$0x30];
	_ =	sdelay $0x4  }
0x6f: {  	v1 =	vshrl.u32 v1, $0x10  }
0x70: {  	[tilespmem:$0x2930] =	vst v1  }
0x71: {  	v1 =	vld [tilespmem:s31+$0x40];
	_ =	sdelay $0x4  }
0x72: {  	v1 =	vshrl.u32 v1, $0x10  }
0x73: {  	[tilespmem:$0x2940] =	vst v1  }
0x74: {  	v1 =	vld [tilespmem:s31+$0x50];
	_ =	sdelay $0x4  }
0x75: {  	v1 =	vshrl.u32 v1, $0x10  }
0x76: {  	[tilespmem:$0x2950] =	vst v1  }
0x77: {  	v1 =	vld [tilespmem:s31+$0x60];
	_ =	sdelay $0x4  }
0x78: {  	v1 =	vshrl.u32 v1, $0x10  }
0x79: {  	[tilespmem:$0x2960] =	vst v1  }
0x7a: {  	v1 =	vld [tilespmem:s31+$0x70];
	_ =	sdelay $0x4  }
0x7b: {  	v1 =	vshrl.u32 v1, $0x10  }
0x7c: {  	[tilespmem:$0x2970] =	vst v1  }
0x7d: {  	[spmem:s1] =	stream.indirect.scatter.add.f32 [tilespmem:s14], [sflag:$0x3], $0x80, s20, s15, $0xb8;
	[tilespmem:$0x1E300] =	vst v63  }
0x7e: {  	_ =	swait.ge [sflag:s13], $0x4000  }
0x7f: {  	p0 =	por $0x0, $0x0;
	[sflag:s13] =	ssyncset.done $0x0  }
0x80: {  	s28 =	simm.s32 @!p0 $0x0;
	[sflag:s13] =	ssyncadd.s32 $0xFFFFC000  }
0x81: {  	v1 =	vld @!p0 [tilespmem:s28+$0x100];
	_ =	sdelay $0x4  }
0x82: {  	v1 =	vand.u32 @!p0 $0xFFFF, v1  }
0x83: {  	[tilespmem:$0x2800] =	vst @!p0 v1  }
0x84: {  	v1 =	vld @!p0 [tilespmem:s28+$0x110];
	_ =	sdelay $0x4  }
0x85: {  	v1 =	vand.u32 @!p0 $0xFFFF, v1  }
0x86: {  	[tilespmem:$0x2810] =	vst @!p0 v1  }
0x87: {  	v1 =	vld @!p0 [tilespmem:s28+$0x120];
	_ =	sdelay $0x4  }
0x88: {  	v1 =	vand.u32 @!p0 $0xFFFF, v1  }
0x89: {  	[tilespmem:$0x2820] =	vst @!p0 v1  }
0x8a: {  	v1 =	vld @!p0 [tilespmem:s28+$0x130];
	_ =	sdelay $0x4  }
0x8b: {  	v1 =	vand.u32 @!p0 $0xFFFF, v1  }
0x8c: {  	[tilespmem:$0x2830] =	vst @!p0 v1  }
0x8d: {  	v1 =	vld @!p0 [tilespmem:s28+$0x140];
	_ =	sdelay $0x4  }
0x8e: {  	v1 =	vand.u32 @!p0 $0xFFFF, v1  }
0x8f: {  	[tilespmem:$0x2840] =	vst @!p0 v1  }
0x90: {  	v1 =	vld @!p0 [tilespmem:s28+$0x150];
	_ =	sdelay $0x4  }
0x91: {  	v1 =	vand.u32 @!p0 $0xFFFF, v1  }
0x92: {  	[tilespmem:$0x2850] =	vst @!p0 v1  }
0x93: {  	v1 =	vld @!p0 [tilespmem:s28+$0x160];
	_ =	sdelay $0x4  }
0x94: {  	v1 =	vand.u32 @!p0 $0xFFFF, v1  }
0x95: {  	[tilespmem:$0x2860] =	vst @!p0 v1  }
0x96: {  	v1 =	vld @!p0 [tilespmem:s28+$0x170];
	_ =	sdelay $0x4  }
0x97: {  	v1 =	vand.u32 @!p0 $0xFFFF, v1  }
0x98: {  	s29 =	simm.s32 @!p0 $0x2800;
	s30 =	simm.s32 @!p0 $0x2A80;
	s28 =	simm.s32 @!p0 $0x80;
	[tilespmem:$0x2870] =	vst @!p0 v1  }
0x99: {  	[tilespmem:s30], [sflag:$0x1] =	stream.indirect.gather @!p0 [hbm4b:s4+s28], $0x80, s29, s28, $0xb8;
	[tilespmem:$0x1E300] =	vst v63  }
0x9a: {  	_ =	swait.ge [sflag:s21], $0x4000  }
0x9b: {  	[sflag:s21] =	ssyncset.done $0x0  }
0x9c: {  	[sflag:s21] =	ssyncadd.s32 $0xFFFFC000  }
0x9d: {  	v1 =	vld [tilespmem:s31+$0x80];
	_ =	sdelay $0x4  }
0x9e: {  	v1 =	vshrl.u32 v1, $0x10  }
0x9f: {  	[tilespmem:$0x2900] =	vst v1  }
0xa0: {  	v1 =	vld [tilespmem:s31+$0x90];
	_ =	sdelay $0x4  }
0xa1: {  	v1 =	vshrl.u32 v1, $0x10  }
0xa2: {  	[tilespmem:$0x2910] =	vst v1  }
0xa3: {  	v1 =	vld [tilespmem:s31+$0xA0];
	_ =	sdelay $0x4  }
0xa4: {  	v1 =	vshrl.u32 v1, $0x10  }
0xa5: {  	[tilespmem:$0x2920] =	vst v1  }
0xa6: {  	v1 =	vld [tilespmem:s31+$0xB0];
	_ =	sdelay $0x4  }
0xa7: {  	v1 =	vshrl.u32 v1, $0x10  }
0xa8: {  	[tilespmem:$0x2930] =	vst v1  }
0xa9: {  	v1 =	vld [tilespmem:s31+$0xC0];
	_ =	sdelay $0x4  }
0xaa: {  	v1 =	vshrl.u32 v1, $0x10  }
0xab: {  	[tilespmem:$0x2940] =	vst v1  }
0xac: {  	v1 =	vld [tilespmem:s31+$0xD0];
	_ =	sdelay $0x4  }
0xad: {  	v1 =	vshrl.u32 v1, $0x10  }
0xae: {  	[tilespmem:$0x2950] =	vst v1  }
0xaf: {  	v1 =	vld [tilespmem:s31+$0xE0];
	_ =	sdelay $0x4  }
0xb0: {  	v1 =	vshrl.u32 v1, $0x10  }
0xb1: {  	[tilespmem:$0x2960] =	vst v1  }
0xb2: {  	v1 =	vld [tilespmem:s31+$0xF0];
	_ =	sdelay $0x4  }
0xb3: {  	v1 =	vshrl.u32 v1, $0x10  }
0xb4: {  	[tilespmem:$0x2970] =	vst v1  }
0xb5: {  	[spmem:s1] =	stream.indirect.scatter.add.f32 [tilespmem:s18], [sflag:$0x3], $0x80, s20, s15, $0xb8;
	[tilespmem:$0x1E300] =	vst v63  }
0xb6: {  	_ =	swait.ge [sflag:s13], $0x4000  }
0xb7: {  	s26 =	simm.s32 $0x400;
	s28 =	simm.s32 $0x800;
	[sflag:s13] =	ssyncset.done $0x0  }
.LBB2_4:
0xb8: {  	s29 =	sshra.s32 s26, $0x2  }
0xb9: {  	[sflag:s13] =	ssyncadd.s32 $0xFFFFC000;
	s30 =	smov.u32 s28;
	s28 =	sadd.s32 $0x400, s28  }
0xba: {  	p0 =	sne.s32 s28, $0x9C00;
	v1 =	vld [tilespmem:s29+$0x80];
	_ =	sdelay $0x4  }
0xbb: {  	v1 =	vand.u32 $0xFFFF, v1  }
0xbc: {  	[tilespmem:$0x2880] =	vst v1  }
0xbd: {  	v1 =	vld [tilespmem:s29+$0x90];
	_ =	sdelay $0x4  }
0xbe: {  	v1 =	vand.u32 $0xFFFF, v1  }
0xbf: {  	[tilespmem:$0x2890] =	vst v1  }
0xc0: {  	v1 =	vld [tilespmem:s29+$0xA0];
	_ =	sdelay $0x4  }
0xc1: {  	v1 =	vand.u32 $0xFFFF, v1  }
0xc2: {  	[tilespmem:$0x28A0] =	vst v1  }
0xc3: {  	v1 =	vld [tilespmem:s29+$0xB0];
	_ =	sdelay $0x4  }
0xc4: {  	v1 =	vand.u32 $0xFFFF, v1  }
0xc5: {  	[tilespmem:$0x28B0] =	vst v1  }
0xc6: {  	v1 =	vld [tilespmem:s29+$0xC0];
	_ =	sdelay $0x4  }
0xc7: {  	v1 =	vand.u32 $0xFFFF, v1  }
0xc8: {  	[tilespmem:$0x28C0] =	vst v1  }
0xc9: {  	v1 =	vld [tilespmem:s29+$0xD0];
	_ =	sdelay $0x4  }
0xca: {  	v1 =	vand.u32 $0xFFFF, v1  }
0xcb: {  	[tilespmem:$0x28D0] =	vst v1  }
0xcc: {  	v1 =	vld [tilespmem:s29+$0xE0];
	_ =	sdelay $0x4  }
0xcd: {  	v1 =	vand.u32 $0xFFFF, v1  }
0xce: {  	[tilespmem:$0x28E0] =	vst v1  }
0xcf: {  	v1 =	vld [tilespmem:s29+$0xF0];
	_ =	sdelay $0x4  }
0xd0: {  	v1 =	vand.u32 $0xFFFF, v1  }
0xd1: {  	[tilespmem:$0x28F0] =	vst v1  }
0xd2: {  	[tilespmem:s18], [sflag:$0x2] =	stream.indirect.gather [hbm4b:s4+s15], $0x80, s17, s15, $0xb8;
	[tilespmem:$0x1E300] =	vst v63  }
0xd3: {  	_ =	swait.ge [sflag:s19], $0x4000  }
0xd4: {  	[sflag:s19] =	ssyncset.done $0x0  }
0xd5: {  	[sflag:s19] =	ssyncadd.s32 $0xFFFFC000  }
0xd6: {  	v1 =	vld [tilespmem:s29+$0x0];
	_ =	sdelay $0x4  }
0xd7: {  	v1 =	vshrl.u32 v1, $0x10  }
0xd8: {  	[tilespmem:$0x2900] =	vst v1  }
0xd9: {  	v1 =	vld [tilespmem:s29+$0x10];
	_ =	sdelay $0x4  }
0xda: {  	v1 =	vshrl.u32 v1, $0x10  }
0xdb: {  	[tilespmem:$0x2910] =	vst v1  }
0xdc: {  	v1 =	vld [tilespmem:s29+$0x20];
	_ =	sdelay $0x4  }
0xdd: {  	v1 =	vshrl.u32 v1, $0x10  }
0xde: {  	[tilespmem:$0x2920] =	vst v1  }
0xdf: {  	v1 =	vld [tilespmem:s29+$0x30];
	_ =	sdelay $0x4  }
0xe0: {  	v1 =	vshrl.u32 v1, $0x10  }
0xe1: {  	[tilespmem:$0x2930] =	vst v1  }
0xe2: {  	v1 =	vld [tilespmem:s29+$0x40];
	_ =	sdelay $0x4  }
0xe3: {  	v1 =	vshrl.u32 v1, $0x10  }
0xe4: {  	[tilespmem:$0x2940] =	vst v1  }
0xe5: {  	v1 =	vld [tilespmem:s29+$0x50];
	_ =	sdelay $0x4  }
0xe6: {  	v1 =	vshrl.u32 v1, $0x10  }
0xe7: {  	[tilespmem:$0x2950] =	vst v1  }
0xe8: {  	v1 =	vld [tilespmem:s29+$0x60];
	_ =	sdelay $0x4  }
0xe9: {  	v1 =	vshrl.u32 v1, $0x10  }
0xea: {  	[tilespmem:$0x2960] =	vst v1  }
0xeb: {  	v1 =	vld [tilespmem:s29+$0x70];
	_ =	sdelay $0x4  }
0xec: {  	v1 =	vshrl.u32 v1, $0x10  }
0xed: {  	[tilespmem:$0x2970] =	vst v1  }
0xee: {  	[spmem:s1] =	stream.indirect.scatter.add.f32 [tilespmem:s14], [sflag:$0x3], $0x80, s20, s15, $0xb8;
	[tilespmem:$0x1E300] =	vst v63  }
0xef: {  	_ =	swait.ge [sflag:s13], $0x4000  }
0xf0: {  	p1 =	seq.s32 s26, $0x9800;
	[sflag:s13] =	ssyncset.done $0x0  }
0xf1: {  	s31 =	sshra.s32 @!p1 s26, $0x2;
	s26 =	smov.u32 s30;
	[sflag:s13] =	ssyncadd.s32 $0xFFFFC000  }
0xf2: {  	v1 =	vld @!p1 [tilespmem:s31+$0x100];
	_ =	sdelay $0x4  }
0xf3: {  	v1 =	vand.u32 @!p1 $0xFFFF, v1  }
0xf4: {  	[tilespmem:$0x2800] =	vst @!p1 v1  }
0xf5: {  	v1 =	vld @!p1 [tilespmem:s31+$0x110];
	_ =	sdelay $0x4  }
0xf6: {  	v1 =	vand.u32 @!p1 $0xFFFF, v1  }
0xf7: {  	[tilespmem:$0x2810] =	vst @!p1 v1  }
0xf8: {  	v1 =	vld @!p1 [tilespmem:s31+$0x120];
	_ =	sdelay $0x4  }
0xf9: {  	v1 =	vand.u32 @!p1 $0xFFFF, v1  }
0xfa: {  	[tilespmem:$0x2820] =	vst @!p1 v1  }
0xfb: {  	v1 =	vld @!p1 [tilespmem:s31+$0x130];
	_ =	sdelay $0x4  }
0xfc: {  	v1 =	vand.u32 @!p1 $0xFFFF, v1  }
0xfd: {  	[tilespmem:$0x2830] =	vst @!p1 v1  }
0xfe: {  	v1 =	vld @!p1 [tilespmem:s31+$0x140];
	_ =	sdelay $0x4  }
0xff: {  	v1 =	vand.u32 @!p1 $0xFFFF, v1  }
0x100: {  	[tilespmem:$0x2840] =	vst @!p1 v1  }
0x101: {  	v1 =	vld @!p1 [tilespmem:s31+$0x150];
	_ =	sdelay $0x4  }
0x102: {  	v1 =	vand.u32 @!p1 $0xFFFF, v1  }
0x103: {  	[tilespmem:$0x2850] =	vst @!p1 v1  }
0x104: {  	v1 =	vld @!p1 [tilespmem:s31+$0x160];
	_ =	sdelay $0x4  }
0x105: {  	v1 =	vand.u32 @!p1 $0xFFFF, v1  }
0x106: {  	[tilespmem:$0x2860] =	vst @!p1 v1  }
0x107: {  	v1 =	vld @!p1 [tilespmem:s31+$0x170];
	_ =	sdelay $0x4  }
0x108: {  	v1 =	vand.u32 @!p1 $0xFFFF, v1  }
0x109: {  	s30 =	simm.s32 @!p1 $0x80;
	s0 =	simm.s32 @!p1 $0x2A80;
	s31 =	simm.s32 @!p1 $0x2800;
	[tilespmem:$0x2870] =	vst @!p1 v1  }
0x10a: {  	[tilespmem:s0], [sflag:$0x1] =	stream.indirect.gather @!p1 [hbm4b:s4+s30], $0x80, s31, s30, $0xb8;
	[tilespmem:$0x1E300] =	vst v63  }
0x10b: {  	_ =	swait.ge [sflag:s21], $0x4000  }
0x10c: {  	[sflag:s21] =	ssyncset.done $0x0  }
0x10d: {  	[sflag:s21] =	ssyncadd.s32 $0xFFFFC000  }
0x10e: {  	v1 =	vld [tilespmem:s29+$0x80];
	_ =	sdelay $0x4  }
0x10f: {  	v1 =	vshrl.u32 v1, $0x10  }
0x110: {  	[tilespmem:$0x2900] =	vst v1  }
0x111: {  	v1 =	vld [tilespmem:s29+$0x90];
	_ =	sdelay $0x4  }
0x112: {  	v1 =	vshrl.u32 v1, $0x10  }
0x113: {  	[tilespmem:$0x2910] =	vst v1  }
0x114: {  	v1 =	vld [tilespmem:s29+$0xA0];
	_ =	sdelay $0x4  }
0x115: {  	v1 =	vshrl.u32 v1, $0x10  }
0x116: {  	[tilespmem:$0x2920] =	vst v1  }
0x117: {  	v1 =	vld [tilespmem:s29+$0xB0];
	_ =	sdelay $0x4  }
0x118: {  	v1 =	vshrl.u32 v1, $0x10  }
0x119: {  	[tilespmem:$0x2930] =	vst v1  }
0x11a: {  	v1 =	vld [tilespmem:s29+$0xC0];
	_ =	sdelay $0x4  }
0x11b: {  	v1 =	vshrl.u32 v1, $0x10  }
0x11c: {  	[tilespmem:$0x2940] =	vst v1  }
0x11d: {  	v1 =	vld [tilespmem:s29+$0xD0];
	_ =	sdelay $0x4  }
0x11e: {  	v1 =	vshrl.u32 v1, $0x10  }
0x11f: {  	[tilespmem:$0x2950] =	vst v1  }
0x120: {  	v1 =	vld [tilespmem:s29+$0xE0];
	_ =	sdelay $0x4  }
0x121: {  	v1 =	vshrl.u32 v1, $0x10  }
0x122: {  	[tilespmem:$0x2960] =	vst v1  }
0x123: {  	v1 =	vld [tilespmem:s29+$0xF0];
	_ =	sdelay $0x4  }
.Ltmp1:
0x124: {  	v1 =	vshrl.u32 v1, $0x10;
	(pc) =	sbr.rel @p0 .LBB2_4-.Ltmp1, $4  }
0x125: {  	[tilespmem:$0x2970] =	vst v1  }
0x126: {  	[spmem:s1] =	stream.indirect.scatter.add.f32 [tilespmem:s18], [sflag:$0x3], $0x80, s20, s15, $0xb8;
	[tilespmem:$0x1E300] =	vst v63  }
0x127: {  	_ =	swait.ge [sflag:s13], $0x4000  }
0x128: {  	[sflag:s13] =	ssyncset.done $0x0  }
0x129: {  	s28 =	sshra.s32 s26, $0x2;
	[sflag:s13] =	ssyncadd.s32 $0xFFFFC000  }
0x12a: {  	v1 =	vld [tilespmem:s28+$0x80];
	_ =	sdelay $0x4  }
0x12b: {  	v1 =	vand.u32 $0xFFFF, v1  }
0x12c: {  	[tilespmem:$0x2880] =	vst v1  }
0x12d: {  	v1 =	vld [tilespmem:s28+$0x90];
	_ =	sdelay $0x4  }
0x12e: {  	v1 =	vand.u32 $0xFFFF, v1  }
0x12f: {  	[tilespmem:$0x2890] =	vst v1  }
0x130: {  	v1 =	vld [tilespmem:s28+$0xA0];
	_ =	sdelay $0x4  }
0x131: {  	v1 =	vand.u32 $0xFFFF, v1  }
0x132: {  	[tilespmem:$0x28A0] =	vst v1  }
0x133: {  	v1 =	vld [tilespmem:s28+$0xB0];
	_ =	sdelay $0x4  }
0x134: {  	v1 =	vand.u32 $0xFFFF, v1  }
0x135: {  	[tilespmem:$0x28B0] =	vst v1  }
0x136: {  	v1 =	vld [tilespmem:s28+$0xC0];
	_ =	sdelay $0x4  }
0x137: {  	v1 =	vand.u32 $0xFFFF, v1  }
0x138: {  	[tilespmem:$0x28C0] =	vst v1  }
0x139: {  	v1 =	vld [tilespmem:s28+$0xD0];
	_ =	sdelay $0x4  }
0x13a: {  	v1 =	vand.u32 $0xFFFF, v1  }
0x13b: {  	[tilespmem:$0x28D0] =	vst v1  }
0x13c: {  	v1 =	vld [tilespmem:s28+$0xE0];
	_ =	sdelay $0x4  }
0x13d: {  	v1 =	vand.u32 $0xFFFF, v1  }
0x13e: {  	[tilespmem:$0x28E0] =	vst v1  }
0x13f: {  	v1 =	vld [tilespmem:s28+$0xF0];
	_ =	sdelay $0x4  }
0x140: {  	v1 =	vand.u32 $0xFFFF, v1  }
0x141: {  	[tilespmem:$0x28F0] =	vst v1  }
0x142: {  	[tilespmem:s18], [sflag:$0x2] =	stream.indirect.gather [hbm4b:s4+s15], $0x80, s17, s15, $0xb8;
	[tilespmem:$0x1E300] =	vst v63  }
0x143: {  	_ =	swait.ge [sflag:s19], $0x4000  }
0x144: {  	[sflag:s19] =	ssyncset.done $0x0  }
0x145: {  	[sflag:s19] =	ssyncadd.s32 $0xFFFFC000  }
0x146: {  	v1 =	vld [tilespmem:s28+$0x0];
	_ =	sdelay $0x4  }
0x147: {  	v1 =	vshrl.u32 v1, $0x10  }
0x148: {  	[tilespmem:$0x2900] =	vst v1  }
0x149: {  	v1 =	vld [tilespmem:s28+$0x10];
	_ =	sdelay $0x4  }
0x14a: {  	v1 =	vshrl.u32 v1, $0x10  }
0x14b: {  	[tilespmem:$0x2910] =	vst v1  }
0x14c: {  	v1 =	vld [tilespmem:s28+$0x20];
	_ =	sdelay $0x4  }
0x14d: {  	v1 =	vshrl.u32 v1, $0x10  }
0x14e: {  	[tilespmem:$0x2920] =	vst v1  }
0x14f: {  	v1 =	vld [tilespmem:s28+$0x30];
	_ =	sdelay $0x4  }
0x150: {  	v1 =	vshrl.u32 v1, $0x10  }
0x151: {  	[tilespmem:$0x2930] =	vst v1  }
0x152: {  	v1 =	vld [tilespmem:s28+$0x40];
	_ =	sdelay $0x4  }
0x153: {  	v1 =	vshrl.u32 v1, $0x10  }
0x154: {  	[tilespmem:$0x2940] =	vst v1  }
0x155: {  	v1 =	vld [tilespmem:s28+$0x50];
	_ =	sdelay $0x4  }
0x156: {  	v1 =	vshrl.u32 v1, $0x10  }
0x157: {  	[tilespmem:$0x2950] =	vst v1  }
0x158: {  	v1 =	vld [tilespmem:s28+$0x60];
	_ =	sdelay $0x4  }
0x159: {  	v1 =	vshrl.u32 v1, $0x10  }
0x15a: {  	[tilespmem:$0x2960] =	vst v1  }
0x15b: {  	v1 =	vld [tilespmem:s28+$0x70];
	_ =	sdelay $0x4  }
0x15c: {  	v1 =	vshrl.u32 v1, $0x10  }
0x15d: {  	[tilespmem:$0x2970] =	vst v1  }
0x15e: {  	[spmem:s1] =	stream.indirect.scatter.add.f32 [tilespmem:s14], [sflag:$0x3], $0x80, s20, s15, $0xb8;
	[tilespmem:$0x1E300] =	vst v63  }
0x15f: {  	_ =	swait.ge [sflag:s13], $0x4000  }
0x160: {  	p0 =	seq.s32 s26, $0x9800;
	[sflag:s13] =	ssyncset.done $0x0  }
0x161: {  	s0 =	sshra.s32 @!p0 s26, $0x2;
	[sflag:s13] =	ssyncadd.s32 $0xFFFFC000  }
0x162: {  	v1 =	vld @!p0 [tilespmem:s0+$0x100];
	_ =	sdelay $0x4  }
0x163: {  	v1 =	vand.u32 @!p0 $0xFFFF, v1  }
0x164: {  	[tilespmem:$0x2800] =	vst @!p0 v1  }
0x165: {  	v1 =	vld @!p0 [tilespmem:s0+$0x110];
	_ =	sdelay $0x4  }
0x166: {  	v1 =	vand.u32 @!p0 $0xFFFF, v1  }
0x167: {  	[tilespmem:$0x2810] =	vst @!p0 v1  }
0x168: {  	v1 =	vld @!p0 [tilespmem:s0+$0x120];
	_ =	sdelay $0x4  }
0x169: {  	v1 =	vand.u32 @!p0 $0xFFFF, v1  }
0x16a: {  	[tilespmem:$0x2820] =	vst @!p0 v1  }
0x16b: {  	v1 =	vld @!p0 [tilespmem:s0+$0x130];
	_ =	sdelay $0x4  }
0x16c: {  	v1 =	vand.u32 @!p0 $0xFFFF, v1  }
0x16d: {  	[tilespmem:$0x2830] =	vst @!p0 v1  }
0x16e: {  	v1 =	vld @!p0 [tilespmem:s0+$0x140];
	_ =	sdelay $0x4  }
0x16f: {  	v1 =	vand.u32 @!p0 $0xFFFF, v1  }
0x170: {  	[tilespmem:$0x2840] =	vst @!p0 v1  }
0x171: {  	v1 =	vld @!p0 [tilespmem:s0+$0x150];
	_ =	sdelay $0x4  }
0x172: {  	v1 =	vand.u32 @!p0 $0xFFFF, v1  }
0x173: {  	[tilespmem:$0x2850] =	vst @!p0 v1  }
0x174: {  	v1 =	vld @!p0 [tilespmem:s0+$0x160];
	_ =	sdelay $0x4  }
0x175: {  	v1 =	vand.u32 @!p0 $0xFFFF, v1  }
0x176: {  	[tilespmem:$0x2860] =	vst @!p0 v1  }
0x177: {  	v1 =	vld @!p0 [tilespmem:s0+$0x170];
	_ =	sdelay $0x4  }
0x178: {  	v1 =	vand.u32 @!p0 $0xFFFF, v1  }
0x179: {  	s26 =	simm.s32 @!p0 $0x2800;
	s29 =	simm.s32 @!p0 $0x2A80;
	s0 =	simm.s32 @!p0 $0x80;
	[tilespmem:$0x2870] =	vst @!p0 v1  }
0x17a: {  	[tilespmem:s29], [sflag:$0x1] =	stream.indirect.gather @!p0 [hbm4b:s4+s0], $0x80, s26, s0, $0xb8;
	[tilespmem:$0x1E300] =	vst v63  }
0x17b: {  	_ =	swait.ge [sflag:s21], $0x4000  }
0x17c: {  	[sflag:s21] =	ssyncset.done $0x0  }
0x17d: {  	[sflag:s21] =	ssyncadd.s32 $0xFFFFC000  }
0x17e: {  	v1 =	vld [tilespmem:s28+$0x80];
	_ =	sdelay $0x4  }
0x17f: {  	v1 =	vshrl.u32 v1, $0x10  }
0x180: {  	[tilespmem:$0x2900] =	vst v1  }
0x181: {  	v1 =	vld [tilespmem:s28+$0x90];
	_ =	sdelay $0x4  }
0x182: {  	v1 =	vshrl.u32 v1, $0x10  }
0x183: {  	[tilespmem:$0x2910] =	vst v1  }
0x184: {  	v1 =	vld [tilespmem:s28+$0xA0];
	_ =	sdelay $0x4  }
0x185: {  	v1 =	vshrl.u32 v1, $0x10  }
0x186: {  	[tilespmem:$0x2920] =	vst v1  }
0x187: {  	v1 =	vld [tilespmem:s28+$0xB0];
	_ =	sdelay $0x4  }
0x188: {  	v1 =	vshrl.u32 v1, $0x10  }
0x189: {  	[tilespmem:$0x2930] =	vst v1  }
0x18a: {  	v1 =	vld [tilespmem:s28+$0xC0];
	_ =	sdelay $0x4  }
0x18b: {  	v1 =	vshrl.u32 v1, $0x10  }
0x18c: {  	[tilespmem:$0x2940] =	vst v1  }
0x18d: {  	v1 =	vld [tilespmem:s28+$0xD0];
	_ =	sdelay $0x4  }
0x18e: {  	v1 =	vshrl.u32 v1, $0x10  }
0x18f: {  	[tilespmem:$0x2950] =	vst v1  }
0x190: {  	v1 =	vld [tilespmem:s28+$0xE0];
	_ =	sdelay $0x4  }
0x191: {  	v1 =	vshrl.u32 v1, $0x10  }
0x192: {  	[tilespmem:$0x2960] =	vst v1  }
0x193: {  	v1 =	vld [tilespmem:s28+$0xF0];
	_ =	sdelay $0x4  }
0x194: {  	v1 =	vshrl.u32 v1, $0x10  }
0x195: {  	[tilespmem:$0x2970] =	vst v1  }
0x196: {  	[spmem:s1] =	stream.indirect.scatter.add.f32 [tilespmem:s18], [sflag:$0x3], $0x80, s20, s15, $0xb8;
	[tilespmem:$0x1E300] =	vst v63  }
0x197: {  	_ =	swait.ge [sflag:s13], $0x4000  }
0x198: {  	[sflag:s13] =	ssyncset.done $0x0  }
0x199: {  	[sflag:s13] =	ssyncadd.s32 $0xFFFFC000  }
0x19a: {  	v1 =	vld [tilespmem:$0x2700];
	_ =	sdelay $0x4  }
0x19b: {  	v2 =	vand.u32 $0xFFFF, v1  }
0x19c: {  	v1 =	vshrl.u32 v1, $0x10;
	[tilespmem:$0x2980] =	vst v2  }
0x19d: {  	[tilespmem:$0x2A00] =	vst v1  }
0x19e: {  	[tilespmem:s14], [sflag:$0x1] =	stream.indirect.gather [hbm4b:s4+s22], $0x80, s23, s22, $0xb8;
	[tilespmem:$0x1E300] =	vst v63  }
0x19f: {  	_ =	swait.ge [sflag:s19], $0x800  }
0x1a0: {  	[sflag:s19] =	ssyncset.done $0x0  }
0x1a1: {  	[sflag:s19] =	ssyncadd.s32 $0xFFFFF800  }
0x1a2: {  	[spmem:s1] =	stream.indirect.scatter.add.f32 [tilespmem:s14], [sflag:$0x3], $0x80, s24, s22, $0xb8;
	[tilespmem:$0x1E300] =	vst v63  }
0x1a3: {  	_ =	swait.ge [sflag:s13], $0x800  }
0x1a4: {  	s30 =	sshll.u32 s2, $0x6;
	s25 =	sadd.s32 $0x1, s25;
	[sflag:s13] =	ssyncset.done $0x0  }
0x1a5: {  	s31 =	sshrl.u32 s7, $0x3;
	p0 =	sne.s32 s25, s8;
	[sflag:s13] =	ssyncadd.s32 $0xFFFFF800  }
.Ltmp2:
0x1a6: {  	s0 =	sor.u32 $0x1C03, s30;
	[bflag:$0x0] =	sbarrier.arrive $0xFFFF;
	(pc) =	sbr.rel @p0 .LBB2_1-.Ltmp2, $4  }
0x1a7: {  	[hbm:s6], [sflag:s0] =	dma.local [spmem:s31], $0x2710  }
0x1a8: {  	_ =	swait.ge [sflag:s13], $0x2710  }
0x1a9: {  	[sflag:s13] =	ssyncset.done $0x0  }
0x1aa: {  	[sflag:s13] =	ssyncadd.s32 $0xFFFFD8F0  }
0x1ab: {  	_ =	sfence.sel $0x180000  }
0x1ac: {  	[bflag:$0x0] =	sbarrier.arrive $0xFFFF  }
0x1ad: {  	_ =	strace $0x9000004A  }
0x1ae: {  	[bflag:$0x2] =	sbarrier.arrive $0xFFFF  }
0x1af: {  	p0 =	sne.s32 s2, $0x0;
	s0 =	rddreg [dreg:$0x3]  }
0x1b0: {  	s0 =	sadd.s32 @!p0 $0x100000, s0  }
0x1b1: {  	[sflag:s0] =	ssyncadd.tile.s32 @!p0 $0x1;
	_ =	shalt  }
.Lfunc_end2:
_tile_overlayer_lowered:
.L_overlay_start_2:
0x1b2: {  	(tag) =	ssettag $0x2  }
0x1b3: {  	s0 =	rddreg [dreg:$0x0];
	s2 =	stileid.u32  }
0x1b4: {  	s1 =	rddreg [dreg:$0x1];
	p0 =	sne.s32 s2, $0x0  }
0x1b5: {  	s3 =	rddreg [dreg:$0x2];
	[bflag:$0x3] =	sbarrier.arrive $0xFFFF;
	s2 =	simm.s32 @!p0 $0x1C03  }
0x1b6: {  	[timem:s3], [sflag:s2] =	dma.local @!p0 [hbm:s0], s1  }
0x1b7: {  	s0 =	simm.s32 @!p0 $0x3  }
0x1b8: {  	_ =	swait.ge @!p0 [sflag:s0], s1  }
0x1b9: {  	s1 =	ssub.s32 @!p0 $0x0, s1;
	[sflag:s0] =	ssyncset.done @!p0 $0x0  }
0x1ba: {  	[sflag:s0] =	ssyncadd.s32 @!p0 s1  }
0x1bb: {  	[bflag:$0x3] =	sbarrier.arrive $0xFFFF  }
0x1bc: {  	_ =	shalt  }

</sc_bundles>
